<compile_context>
chip_gen: v7x
topology: tpu7x:2x2x1
jax: 0.10.2.dev20260603
libtpu: 0.0.44.dev20260713+nightly
codegen_flags: <defaults>
</compile_context>

<pallas_src>
import functools

import jax
import jax.numpy as jnp
from jax import lax
from jax.experimental import pallas as pl
from jax.experimental.pallas import tpu as pltpu
from jax.experimental.pallas import tpu_sc as plsc

N = 10000
NPAD = 10240
E = 320000
DIN = 128
DHID = 256
DOUT = 128

NC = 2
NS = 16
L = 16
NW = NC * NS

EROWS = 2560
EPAD = EROWS * 128
RPT = EROWS // NS
NROWS_PT = NPAD // NS


def _sc_mesh():
    return plsc.VectorSubcoreMesh(
        core_axis_name="c", subcore_axis_name="s", num_cores=NC, num_subcores=NS
    )


_RPW = EROWS // NW


def _deg_partials(dst2d):
    @functools.partial(
        pl.kernel,
        mesh=_sc_mesh(),
        out_type=jax.ShapeDtypeStruct((NC * NPAD, 128), jnp.float32),
        scratch_types=[
            pltpu.VMEM((_RPW, 128), jnp.int32),
            pltpu.VMEM((128, 128), jnp.float32),
            pltpu.VMEM_SHARED((NPAD, 128), jnp.float32),
        ],
    )
    def deg_kernel(dst_hbm, out_hbm, di_v, rows_v, deg_sh):
        cid = lax.axis_index("c")
        sid = lax.axis_index("s")
        rbase = (cid * NS + sid) * _RPW
        obase = sid * NROWS_PT

        def zrow(i, _):
            def zvec(k, _):
                rows_v[i, pl.ds(k * L, L)] = jnp.zeros((L,), jnp.float32)
                return 0

            lax.fori_loop(0, 128 // L, zvec, 0)
            return 0

        lax.fori_loop(0, 128, zrow, 0)

        def clr(k, _):
            pltpu.sync_copy(rows_v, deg_sh.at[pl.ds(obase + k * 128, 128)])
            return 0

        lax.fori_loop(0, NROWS_PT // 128, clr, 0)
        plsc.subcore_barrier()

        def set1(i, _):
            def svec(k, _):
                rows_v[i, pl.ds(k * L, L)] = jnp.ones((L,), jnp.float32)
                return 0

            lax.fori_loop(0, 128 // L, svec, 0)
            return 0

        lax.fori_loop(0, 128, set1, 0)

        pltpu.sync_copy(dst_hbm.at[pl.ds(rbase, _RPW)], di_v)

        def main(j, _):
            pltpu.sync_copy(rows_v, deg_sh.at[di_v.at[j]], add=True)
            return 0

        lax.fori_loop(0, _RPW, main, 0)
        plsc.subcore_barrier()

        pltpu.sync_copy(deg_sh.at[pl.ds(obase, NROWS_PT)],
                        out_hbm.at[pl.ds(cid * NPAD + obase, NROWS_PT)])

    return deg_kernel(dst2d)


CHR = 40


_RPT_ES = EROWS // NW


def _agg_edge(h, src2d, dst2d):
    @functools.partial(
        pl.kernel,
        mesh=_sc_mesh(),
        out_type=jax.ShapeDtypeStruct((NC * NPAD, DOUT), jnp.float32),
        scratch_types=[
            pltpu.VMEM((CHR, 128), jnp.int32),
            pltpu.VMEM((CHR, 128), jnp.int32),
            pltpu.VMEM((128, DOUT), jnp.float32),
            pltpu.VMEM((128, DOUT), jnp.float32),
            pltpu.VMEM_SHARED((NPAD, DOUT), jnp.float32),
            pltpu.SemaphoreType.DMA,
            pltpu.SemaphoreType.DMA,
            pltpu.SemaphoreType.DMA,
            pltpu.SemaphoreType.DMA,
        ],
    )
    def agg_kernel(h_hbm, src_hbm, dst_hbm, out_hbm, si_v, di_v, rows_a, rows_b,
                   agg_sh, sem_a, sem_b, sem_sa, sem_sb):
        cid = lax.axis_index("c")
        sid = lax.axis_index("s")
        rbase = (cid * NS + sid) * _RPT_ES

        def zrow(i, _):
            def zvec(k, _):
                rows_a[i, pl.ds(k * L, L)] = jnp.zeros((L,), jnp.float32)
                return 0

            lax.fori_loop(0, DOUT // L, zvec, 0)
            return 0

        lax.fori_loop(0, 128, zrow, 0)

        def clr(k, _):
            pltpu.sync_copy(rows_a, agg_sh.at[pl.ds(sid * NROWS_PT + k * 128, 128)])
            return 0

        lax.fori_loop(0, NROWS_PT // 128, clr, 0)
        plsc.subcore_barrier()

        def chunk(q, _):
            rq = rbase + q * CHR
            pltpu.sync_copy(src_hbm.at[pl.ds(rq, CHR)], si_v)
            pltpu.sync_copy(dst_hbm.at[pl.ds(rq, CHR)], di_v)

            def pair(p, _):
                cpa = pltpu.async_copy(h_hbm.at[si_v.at[2 * p]], rows_a, sem_a)
                cpb = pltpu.async_copy(h_hbm.at[si_v.at[2 * p + 1]], rows_b, sem_b)
                cpa.wait()
                sca = pltpu.async_copy(rows_a, agg_sh.at[di_v.at[2 * p]],
                                       sem_sa, add=True)
                cpb.wait()
                scb = pltpu.async_copy(rows_b, agg_sh.at[di_v.at[2 * p + 1]],
                                       sem_sb, add=True)
                sca.wait()
                scb.wait()
                return 0

            lax.fori_loop(0, CHR // 2, pair, 0)
            return 0

        lax.fori_loop(0, _RPT_ES // CHR, chunk, 0)
        plsc.subcore_barrier()

        pltpu.sync_copy(
            agg_sh.at[pl.ds(sid * NROWS_PT, NROWS_PT)],
            out_hbm.at[pl.ds(cid * NPAD + sid * NROWS_PT, NROWS_PT)],
        )

    return agg_kernel(h, src2d, dst2d)


_BN = 512


def _tca_body(x_ref, dega_ref, degb_ref, xp_ref, dis_ref):
    dis = lax.rsqrt(dega_ref[:, 0:1] + degb_ref[:, 0:1] + 1.0)
    dis_ref[...] = dis
    xp_ref[...] = dis * x_ref[...]


def _tca(x_pad, deg2):
    return pl.pallas_call(
        _tca_body,
        grid=(NPAD // _BN,),
        in_specs=[
            pl.BlockSpec((_BN, DIN), lambda i: (i, 0)),
            pl.BlockSpec((_BN, 128), lambda i: (i, 0)),
            pl.BlockSpec((_BN, 128), lambda i: (i + NPAD // _BN, 0)),
        ],
        out_specs=[
            pl.BlockSpec((_BN, DIN), lambda i: (i, 0)),
            pl.BlockSpec((_BN, 1), lambda i: (i, 0)),
        ],
        out_shape=[
            jax.ShapeDtypeStruct((NPAD, DIN), jnp.float32),
            jax.ShapeDtypeStruct((NPAD, 1), jnp.float32),
        ],
    )(x_pad, deg2, deg2)


def _tcb_body(agg_ref, xp_ref, dis_ref, b1_ref, w1_ref, w2_ref, out_ref):
    dis = dis_ref[...]
    u = agg_ref[0] + agg_ref[1] + xp_ref[...]
    t = jnp.dot(u, w1_ref[...], preferred_element_type=jnp.float32)
    z = jnp.maximum(dis * t + b1_ref[...], 0.0)
    h2 = jnp.dot(z, w2_ref[...], preferred_element_type=jnp.float32)
    out_ref[...] = dis * h2


def _tcb(agg1, xp, dis, b1, w1, w2):
    return pl.pallas_call(
        _tcb_body,
        grid=(NPAD // _BN,),
        in_specs=[
            pl.BlockSpec((NC, _BN, DIN), lambda i: (0, i, 0)),
            pl.BlockSpec((_BN, DIN), lambda i: (i, 0)),
            pl.BlockSpec((_BN, 1), lambda i: (i, 0)),
            pl.BlockSpec((1, DHID), lambda i: (0, 0)),
            pl.BlockSpec((DIN, DHID), lambda i: (0, 0)),
            pl.BlockSpec((DHID, DOUT), lambda i: (0, 0)),
        ],
        out_specs=pl.BlockSpec((_BN, DOUT), lambda i: (i, 0)),
        out_shape=jax.ShapeDtypeStruct((NPAD, DOUT), jnp.float32),
    )(agg1, xp, dis, b1, w1, w2)


def _tc3_body(agg_ref, hp_ref, dis_ref, b2_ref, out_ref):
    dis = dis_ref[...]
    s = agg_ref[0] + agg_ref[1] + hp_ref[...]
    out_ref[...] = jnp.maximum(dis * s + b2_ref[...], 0.0)


_BN3 = 400


def _tc3(agg2, h2p, dis, b2):
    return pl.pallas_call(
        _tc3_body,
        grid=(N // _BN3,),
        in_specs=[
            pl.BlockSpec((NC, _BN3, DOUT), lambda i: (0, i, 0)),
            pl.BlockSpec((_BN3, DOUT), lambda i: (i, 0)),
            pl.BlockSpec((_BN3, 1), lambda i: (i, 0)),
            pl.BlockSpec((1, DOUT), lambda i: (0, 0)),
        ],
        out_specs=pl.BlockSpec((_BN3, DOUT), lambda i: (i, 0)),
        out_shape=jax.ShapeDtypeStruct((N, DOUT), jnp.float32),
    )(agg2, h2p, dis, b2)


def kernel(x, edge_index, W1, b1, W2, b2):
    src = edge_index[0]
    dst = edge_index[1]

    pad = N + (jnp.arange(EPAD - E, dtype=src.dtype) % (NPAD - N))
    src2d = jnp.concatenate([src, pad]).reshape(EROWS, 128)
    dst2d = jnp.concatenate([dst, pad]).reshape(EROWS, 128)

    deg2 = _deg_partials(dst2d)

    x_pad = jnp.zeros((NPAD, DIN), x.dtype).at[:N].set(x)

    xp, dis = _tca(x_pad, deg2)
    agg1 = _agg_edge(xp, src2d, dst2d).reshape(NC, NPAD, DIN)
    h2p = _tcb(agg1, xp, dis, b1.reshape(1, DHID), W1, W2)
    agg2 = _agg_edge(h2p, src2d, dst2d).reshape(NC, NPAD, DOUT)
    return _tc3(agg2, h2p, dis, b2.reshape(1, DOUT))

# --- scband reference (transcript-rebuilt; emitter-appended) ---
"""Pipeline reference for scband-model-43224550868041 (READ-ONLY COPY).

The authoritative reference and input builder live on the scoring server;
editing this copy changes nothing except your own understanding.
"""

import jax, jax.numpy as jnp
import numpy as np

N = 10000
E = 320000
DIN = 128
DOUT = 128
DHID = 2 * DOUT


def _glorot(key, shape):
    fan_in, fan_out = shape[0], shape[1]
    limit = jnp.sqrt(6.0 / (fan_in + fan_out))
    return jax.random.uniform(key, shape, dtype=jnp.float32, minval=-limit, maxval=limit)


def setup_inputs(seed: int = 0) -> dict:
    key = jax.random.key(seed)
    k_x, k_e, k_w1, k_w2 = jax.random.split(key, 4)
    x = jax.random.normal(k_x, (N, DIN), dtype=jnp.float32)
    edge_index = jax.random.randint(k_e, (2, E), 0, N, dtype=jnp.int32)
    W1 = _glorot(k_w1, (DIN, DHID))
    b1 = jnp.zeros((DHID,), dtype=jnp.float32)
    W2 = _glorot(k_w2, (DHID, DOUT))
    b2 = jnp.zeros((DOUT,), dtype=jnp.float32)
    return {"x": x, "edge_index": edge_index, "W1": W1, "b1": b1, "W2": W2, "b2": b2}


def _gcn_conv(x, edge_index, W, b):
    # torch_geometric GCNConv: add self-loops, symmetric normalization,
    # linear transform, scatter-add aggregation at dst, then bias.
    n = x.shape[0]
    loop = jnp.arange(n, dtype=edge_index.dtype)
    src = jnp.concatenate([edge_index[0], loop])
    dst = jnp.concatenate([edge_index[1], loop])
    deg = jnp.zeros((n,), dtype=x.dtype).at[dst].add(1.0)
    deg_inv_sqrt = jnp.where(deg > 0, jax.lax.rsqrt(deg), 0.0)
    norm = deg_inv_sqrt[src] * deg_inv_sqrt[dst]
    h = x @ W
    msg = jnp.take(h, src, axis=0) * norm[:, None]
    out = jnp.zeros((n, W.shape[1]), dtype=x.dtype).at[dst].add(msg)
    return out + b


def reference(x, edge_index, W1, b1, W2, b2):
    h = jax.nn.relu(_gcn_conv(x, edge_index, W1, b1))
    h = jax.nn.relu(_gcn_conv(h, edge_index, W2, b2))
    return h

if __name__ == "__main__":
    import jax
    _d = setup_inputs()
    print(jax.jit(kernel)(*tuple(_d.values())))

</pallas_src>

<mosaic_0001>
#map = affine_map<(d0, d1) -> (0, 0)>
module attributes {stable_mosaic.version = 14 : i64} {
  func.func @deg_kernel(%arg0: i32, %arg1: i32, %arg2: memref<2560x128xi32, #tpu.memory_space<hbm>>, %arg3: memref<20480x128xf32, #tpu.memory_space<hbm>>, %arg4: memref<80x128xi32, #tpu.memory_space<vmem>>, %arg5: memref<128x128xf32, #tpu.memory_space<vmem>>, %arg6: memref<10240x128xf32, #tpu.memory_space<vmem_shared>>) attributes {dimension_semantics = [#tpu.dimension_semantics<core_parallel>, #tpu.dimension_semantics<subcore_parallel>], iteration_bounds = array<i64: 2, 16>, scalar_prefetch = 0 : i64, scratch_operands = 3 : i64, tpu.core_type = #tpu.core_type<sc_vector_subcore>, window_params = [{transform_indices = #map}, {transform_indices = #map}]} {
    %mul3A = arith.constant 16 : i32
    %mul3A_0 = arith.muli %arg0, %mul3A : i32
    %add3A = arith.addi %mul3A_0, %arg1 : i32
    %mul3A_1 = arith.constant 80 : i32
    %mul3A_2 = arith.muli %add3A, %mul3A_1 : i32
    %mul3A_3 = arith.constant 640 : i32
    %mul3A_4 = arith.muli %arg1, %mul3A_3 : i32
    %scan3A = arith.constant 0 : i32
    %scan3A_5 = arith.constant 0 : i32
    %scan3A_6 = arith.constant 128 : i32
    %scan3A_7 = arith.addi %scan3A_5, %scan3A_6 : i32
    %scan3A_8 = arith.constant 1 : i32
    %scan3A_9 = scf.for %scan3A_36 = %scan3A_5 to %scan3A_7 step %scan3A_8 iter_args(%scan3A_37 = %scan3A) -> (i32)  : i32 {
      %scan3A_38 = arith.constant 0 : i32
      %scan3A_39 = arith.constant 0 : i32
      %scan3A_40 = arith.constant 8 : i32
      %scan3A_41 = arith.addi %scan3A_39, %scan3A_40 : i32
      %scan3A_42 = arith.constant 1 : i32
      %scan3A_43 = scf.for %scan3A_46 = %scan3A_39 to %scan3A_41 step %scan3A_42 iter_args(%scan3A_47 = %scan3A_38) -> (i32)  : i32 {
        %broadcast_in_dim3A = arith.constant 0.000000e+00 : f32
        %broadcast_in_dim3A_48 = vector.broadcast %broadcast_in_dim3A : f32 to vector<16xf32>
        %mul3A_49 = arith.constant 16 : i32
        %mul3A_50 = arith.muli %scan3A_46, %mul3A_49 : i32
        %swap3A = arith.index_cast %scan3A_36 : i32 to index
        %swap3A_51 = arith.index_cast %mul3A_50 : i32 to index
        %swap3A_52 = tpu.vector_load %arg5[%swap3A, %swap3A_51] {strides = array<i32>} : memref<128x128xf32, #tpu.memory_space<vmem>>, vector<1x16xf32>,
        %swap3A_53 = vector.shape_cast %swap3A_52 : vector<1x16xf32> to vector<16xf32>
        %swap3A_54 = vector.shape_cast %broadcast_in_dim3A_48 : vector<16xf32> to vector<1x16xf32>
        tpu.vector_store %arg5[%swap3A, %swap3A_51], %swap3A_54 {strides = array<i32>} : memref<128x128xf32, #tpu.memory_space<vmem>>, vector<1x16xf32>,
        %scan3A_55 = arith.constant 0 : i32
        scf.yield %scan3A_55 : i32
      }
      %scan3A_44 = arith.constant 8 : i32
      %scan3A_45 = arith.constant 0 : i32
      scf.yield %scan3A_45 : i32
    }
    %scan3A_10 = arith.constant 128 : i32
    %scan3A_11 = arith.constant 0 : i32
    %scan3A_12 = arith.constant 0 : i32
    %scan3A_13 = arith.constant 5 : i32
    %scan3A_14 = arith.addi %scan3A_12, %scan3A_13 : i32
    %scan3A_15 = arith.constant 1 : i32
    %scan3A_16 = scf.for %scan3A_36 = %scan3A_12 to %scan3A_14 step %scan3A_15 iter_args(%scan3A_37 = %scan3A_11) -> (i32)  : i32 {
      %mul3A_38 = arith.constant 128 : i32
      %mul3A_39 = arith.muli %scan3A_36, %mul3A_38 : i32
      %add3A_40 = arith.addi %mul3A_4, %mul3A_39 : i32
      "tpu.region"() ({
        %run_scoped3A = tpu.sem_alloc : memref<!tpu.dma_semaphore, #tpu.memory_space<semaphore_mem>>
        %dma_start3A = arith.constant 0 : i32
        %dma_start3A_42 = tpu.memref_slice %arg6[%add3A_40, %dma_start3A] : memref<10240x128xf32, #tpu.memory_space<vmem_shared>> -> memref<128x128xf32, #tpu.memory_space<vmem_shared>>
        %dma_start3A_43 = arith.constant 0 : i32
        %dma_start3A_44 = tpu.memref_slice %arg6[%add3A_40, %dma_start3A_43] : memref<10240x128xf32, #tpu.memory_space<vmem_shared>> -> memref<128x128xf32, #tpu.memory_space<vmem_shared>>
        tpu.enqueue_dma source(%arg5 : memref<128x128xf32, #tpu.memory_space<vmem>>) target(%dma_start3A_44 : memref<128x128xf32, #tpu.memory_space<vmem_shared>>) target_semaphore(%run_scoped3A : memref<!tpu.dma_semaphore, #tpu.memory_space<semaphore_mem>>)
        %dma_wait3A = arith.constant 0 : i32
        %dma_wait3A_45 = tpu.memref_slice %arg6[%add3A_40, %dma_wait3A] : memref<10240x128xf32, #tpu.memory_space<vmem_shared>> -> memref<128x128xf32, #tpu.memory_space<vmem_shared>>
        %dma_wait3A_46 = arith.constant 0 : i32
        %dma_wait3A_47 = tpu.memref_slice %arg6[%add3A_40, %dma_wait3A_46] : memref<10240x128xf32, #tpu.memory_space<vmem_shared>> -> memref<128x128xf32, #tpu.memory_space<vmem_shared>>
        tpu.wait_dma2 semaphore(%run_scoped3A : memref<!tpu.dma_semaphore, #tpu.memory_space<semaphore_mem>>) src(%arg5 : memref<128x128xf32, #tpu.memory_space<vmem>>) dst(%dma_wait3A_47 : memref<128x128xf32, #tpu.memory_space<vmem_shared>>)
        tpu.yield
      }) : () -> ()
      %scan3A_41 = arith.constant 0 : i32
      scf.yield %scan3A_41 : i32
    }
    %scan3A_17 = arith.constant 5 : i32
    %barrier3A = arith.constant 0 : index
    tpu.barrier barrier_id(%barrier3A)
    %scan3A_18 = arith.constant 0 : i32
    %scan3A_19 = arith.constant 0 : i32
    %scan3A_20 = arith.constant 128 : i32
    %scan3A_21 = arith.addi %scan3A_19, %scan3A_20 : i32
    %scan3A_22 = arith.constant 1 : i32
    %scan3A_23 = scf.for %scan3A_36 = %scan3A_19 to %scan3A_21 step %scan3A_22 iter_args(%scan3A_37 = %scan3A_18) -> (i32)  : i32 {
      %scan3A_38 = arith.constant 0 : i32
      %scan3A_39 = arith.constant 0 : i32
      %scan3A_40 = arith.constant 8 : i32
      %scan3A_41 = arith.addi %scan3A_39, %scan3A_40 : i32
      %scan3A_42 = arith.constant 1 : i32
      %scan3A_43 = scf.for %scan3A_46 = %scan3A_39 to %scan3A_41 step %scan3A_42 iter_args(%scan3A_47 = %scan3A_38) -> (i32)  : i32 {
        %broadcast_in_dim3A = arith.constant 1.000000e+00 : f32
        %broadcast_in_dim3A_48 = vector.broadcast %broadcast_in_dim3A : f32 to vector<16xf32>
        %mul3A_49 = arith.constant 16 : i32
        %mul3A_50 = arith.muli %scan3A_46, %mul3A_49 : i32
        %swap3A = arith.index_cast %scan3A_36 : i32 to index
        %swap3A_51 = arith.index_cast %mul3A_50 : i32 to index
        %swap3A_52 = tpu.vector_load %arg5[%swap3A, %swap3A_51] {strides = array<i32>} : memref<128x128xf32, #tpu.memory_space<vmem>>, vector<1x16xf32>,
        %swap3A_53 = vector.shape_cast %swap3A_52 : vector<1x16xf32> to vector<16xf32>
        %swap3A_54 = vector.shape_cast %broadcast_in_dim3A_48 : vector<16xf32> to vector<1x16xf32>
        tpu.vector_store %arg5[%swap3A, %swap3A_51], %swap3A_54 {strides = array<i32>} : memref<128x128xf32, #tpu.memory_space<vmem>>, vector<1x16xf32>,
        %scan3A_55 = arith.constant 0 : i32
        scf.yield %scan3A_55 : i32
      }
      %scan3A_44 = arith.constant 8 : i32
      %scan3A_45 = arith.constant 0 : i32
      scf.yield %scan3A_45 : i32
    }
    %scan3A_24 = arith.constant 128 : i32
    "tpu.region"() ({
      %run_scoped3A = tpu.sem_alloc : memref<!tpu.dma_semaphore, #tpu.memory_space<semaphore_mem>>
      %dma_start3A = arith.constant 0 : i32
      %dma_start3A_36 = tpu.memref_slice %arg2[%mul3A_2, %dma_start3A] : memref<2560x128xi32, #tpu.memory_space<hbm>> -> memref<80x128xi32, #tpu.memory_space<hbm>>
      %dma_start3A_37 = arith.constant 0 : i32
      %dma_start3A_38 = tpu.memref_slice %arg2[%mul3A_2, %dma_start3A_37] : memref<2560x128xi32, #tpu.memory_space<hbm>> -> memref<80x128xi32, #tpu.memory_space<hbm>>
      tpu.enqueue_dma source(%dma_start3A_38 : memref<80x128xi32, #tpu.memory_space<hbm>>) target(%arg4 : memref<80x128xi32, #tpu.memory_space<vmem>>) target_semaphore(%run_scoped3A : memref<!tpu.dma_semaphore, #tpu.memory_space<semaphore_mem>>)
      %dma_wait3A = arith.constant 0 : i32
      %dma_wait3A_39 = tpu.memref_slice %arg2[%mul3A_2, %dma_wait3A] : memref<2560x128xi32, #tpu.memory_space<hbm>> -> memref<80x128xi32, #tpu.memory_space<hbm>>
      %dma_wait3A_40 = arith.constant 0 : i32
      %dma_wait3A_41 = tpu.memref_slice %arg2[%mul3A_2, %dma_wait3A_40] : memref<2560x128xi32, #tpu.memory_space<hbm>> -> memref<80x128xi32, #tpu.memory_space<hbm>>
      tpu.wait_dma2 semaphore(%run_scoped3A : memref<!tpu.dma_semaphore, #tpu.memory_space<semaphore_mem>>) src(%dma_wait3A_41 : memref<80x128xi32, #tpu.memory_space<hbm>>) dst(%arg4 : memref<80x128xi32, #tpu.memory_space<vmem>>)
      tpu.yield
    }) : () -> ()
    %scan3A_25 = arith.constant 0 : i32
    %scan3A_26 = arith.constant 0 : i32
    %scan3A_27 = arith.constant 80 : i32
    %scan3A_28 = arith.addi %scan3A_26, %scan3A_27 : i32
    %scan3A_29 = arith.constant 1 : i32
    %scan3A_30 = scf.for %scan3A_36 = %scan3A_26 to %scan3A_28 step %scan3A_29 iter_args(%scan3A_37 = %scan3A_25) -> (i32)  : i32 {
      "tpu.region"() ({
        %run_scoped3A = tpu.sem_alloc : memref<!tpu.dma_semaphore, #tpu.memory_space<semaphore_mem>>
        %dma_start3A = arith.constant 0 : i32
        %dma_start3A_39 = tpu.memref_slice %arg4[%scan3A_36, %dma_start3A] : memref<80x128xi32, #tpu.memory_space<vmem>> -> memref<1x128xi32, #tpu.memory_space<vmem>>
        %dma_start3A_40 = tpu.memref_squeeze %dma_start3A_39 : memref<1x128xi32, #tpu.memory_space<vmem>> -> memref<128xi32, #tpu.memory_space<vmem>>
        %dma_start3A_41 = arith.constant 0 : i32
        %dma_start3A_42 = arith.constant 0 : i32
        %dma_start3A_43 = tpu.memref_slice %arg6[%dma_start3A_41, %dma_start3A_42] : memref<10240x128xf32, #tpu.memory_space<vmem_shared>> -> memref<10240x128xf32, #tpu.memory_space<vmem_shared>>
        tpu.enqueue_indirect_dma source(%arg5 : memref<128x128xf32, #tpu.memory_space<vmem>>) target(%dma_start3A_43 : memref<10240x128xf32, #tpu.memory_space<vmem_shared>>) offsets(%dma_start3A_40 : memref<128xi32, #tpu.memory_space<vmem>>) semaphore(%run_scoped3A : memref<!tpu.dma_semaphore, #tpu.memory_space<semaphore_mem>>) {add = true}
        %dma_wait3A = arith.constant 0 : i32
        %dma_wait3A_44 = tpu.memref_slice %arg4[%scan3A_36, %dma_wait3A] : memref<80x128xi32, #tpu.memory_space<vmem>> -> memref<1x128xi32, #tpu.memory_space<vmem>>
        %dma_wait3A_45 = tpu.memref_squeeze %dma_wait3A_44 : memref<1x128xi32, #tpu.memory_space<vmem>> -> memref<128xi32, #tpu.memory_space<vmem>>
        %dma_wait3A_46 = arith.constant 0 : i32
        %dma_wait3A_47 = arith.constant 0 : i32
        %dma_wait3A_48 = tpu.memref_slice %arg6[%dma_wait3A_46, %dma_wait3A_47] : memref<10240x128xf32, #tpu.memory_space<vmem_shared>> -> memref<10240x128xf32, #tpu.memory_space<vmem_shared>>
        tpu.wait_indirect_dma semaphore(%run_scoped3A : memref<!tpu.dma_semaphore, #tpu.memory_space<semaphore_mem>>) src(%arg5 : memref<128x128xf32, #tpu.memory_space<vmem>>) dst(%dma_wait3A_48 : memref<10240x128xf32, #tpu.memory_space<vmem_shared>>)
        tpu.yield
      }) : () -> ()
      %scan3A_38 = arith.constant 0 : i32
      scf.yield %scan3A_38 : i32
    }
    %scan3A_31 = arith.constant 80 : i32
    %barrier3A_32 = arith.constant 0 : index
    tpu.barrier barrier_id(%barrier3A_32)
    %mul3A_33 = arith.constant 10240 : i32
    %mul3A_34 = arith.muli %arg0, %mul3A_33 : i32
    %add3A_35 = arith.addi %mul3A_34, %mul3A_4 : i32
    "tpu.region"() ({
      %run_scoped3A = tpu.sem_alloc : memref<!tpu.dma_semaphore, #tpu.memory_space<semaphore_mem>>
      %dma_start3A = arith.constant 0 : i32
      %dma_start3A_36 = tpu.memref_slice %arg3[%add3A_35, %dma_start3A] : memref<20480x128xf32, #tpu.memory_space<hbm>> -> memref<640x128xf32, #tpu.memory_space<hbm>>
      %dma_start3A_37 = arith.constant 0 : i32
      %dma_start3A_38 = tpu.memref_slice %arg6[%mul3A_4, %dma_start3A_37] : memref<10240x128xf32, #tpu.memory_space<vmem_shared>> -> memref<640x128xf32, #tpu.memory_space<vmem_shared>>
      tpu.enqueue_dma source(%dma_start3A_38 : memref<640x128xf32, #tpu.memory_space<vmem_shared>>) target(%dma_start3A_36 : memref<640x128xf32, #tpu.memory_space<hbm>>) target_semaphore(%run_scoped3A : memref<!tpu.dma_semaphore, #tpu.memory_space<semaphore_mem>>)
      %dma_wait3A = arith.constant 0 : i32
      %dma_wait3A_39 = tpu.memref_slice %arg3[%add3A_35, %dma_wait3A] : memref<20480x128xf32, #tpu.memory_space<hbm>> -> memref<640x128xf32, #tpu.memory_space<hbm>>
      %dma_wait3A_40 = arith.constant 0 : i32
      %dma_wait3A_41 = tpu.memref_slice %arg6[%mul3A_4, %dma_wait3A_40] : memref<10240x128xf32, #tpu.memory_space<vmem_shared>> -> memref<640x128xf32, #tpu.memory_space<vmem_shared>>
      tpu.wait_dma2 semaphore(%run_scoped3A : memref<!tpu.dma_semaphore, #tpu.memory_space<semaphore_mem>>) src(%dma_wait3A_41 : memref<640x128xf32, #tpu.memory_space<vmem_shared>>) dst(%dma_wait3A_39 : memref<640x128xf32, #tpu.memory_space<hbm>>)
      tpu.yield
    }) : () -> ()
    return
  }
}

#map = affine_map<(d0, d1) -> (0, 0)>
module attributes {stable_mosaic.version = 14 : i64} {
  func.func @agg_kernel(%arg0: i32, %arg1: i32, %arg2: memref<10240x128xf32, #tpu.memory_space<hbm>>, %arg3: memref<2560x128xi32, #tpu.memory_space<hbm>>, %arg4: memref<2560x128xi32, #tpu.memory_space<hbm>>, %arg5: memref<20480x128xf32, #tpu.memory_space<hbm>>, %arg6: memref<40x128xi32, #tpu.memory_space<vmem>>, %arg7: memref<40x128xi32, #tpu.memory_space<vmem>>, %arg8: memref<128x128xf32, #tpu.memory_space<vmem>>, %arg9: memref<128x128xf32, #tpu.memory_space<vmem>>, %arg10: memref<10240x128xf32, #tpu.memory_space<vmem_shared>>, %arg11: memref<!tpu.dma_semaphore, #tpu.memory_space<semaphore_mem>>, %arg12: memref<!tpu.dma_semaphore, #tpu.memory_space<semaphore_mem>>, %arg13: memref<!tpu.dma_semaphore, #tpu.memory_space<semaphore_mem>>, %arg14: memref<!tpu.dma_semaphore, #tpu.memory_space<semaphore_mem>>) attributes {dimension_semantics = [#tpu.dimension_semantics<core_parallel>, #tpu.dimension_semantics<subcore_parallel>], iteration_bounds = array<i64: 2, 16>, scalar_prefetch = 0 : i64, scratch_operands = 9 : i64, tpu.core_type = #tpu.core_type<sc_vector_subcore>, window_params = [{transform_indices = #map}, {transform_indices = #map}, {transform_indices = #map}, {transform_indices = #map}]} {
    %mul3A = arith.constant 16 : i32
    %mul3A_0 = arith.muli %arg0, %mul3A : i32
    %add3A = arith.addi %mul3A_0, %arg1 : i32
    %mul3A_1 = arith.constant 80 : i32
    %mul3A_2 = arith.muli %add3A, %mul3A_1 : i32
    %scan3A = arith.constant 0 : i32
    %scan3A_3 = arith.constant 0 : i32
    %scan3A_4 = arith.constant 128 : i32
    %scan3A_5 = arith.addi %scan3A_3, %scan3A_4 : i32
    %scan3A_6 = arith.constant 1 : i32
    %scan3A_7 = scf.for %scan3A_31 = %scan3A_3 to %scan3A_5 step %scan3A_6 iter_args(%scan3A_32 = %scan3A) -> (i32)  : i32 {
      %scan3A_33 = arith.constant 0 : i32
      %scan3A_34 = arith.constant 0 : i32
      %scan3A_35 = arith.constant 8 : i32
      %scan3A_36 = arith.addi %scan3A_34, %scan3A_35 : i32
      %scan3A_37 = arith.constant 1 : i32
      %scan3A_38 = scf.for %scan3A_41 = %scan3A_34 to %scan3A_36 step %scan3A_37 iter_args(%scan3A_42 = %scan3A_33) -> (i32)  : i32 {
        %broadcast_in_dim3A = arith.constant 0.000000e+00 : f32
        %broadcast_in_dim3A_43 = vector.broadcast %broadcast_in_dim3A : f32 to vector<16xf32>
        %mul3A_44 = arith.constant 16 : i32
        %mul3A_45 = arith.muli %scan3A_41, %mul3A_44 : i32
        %swap3A = arith.index_cast %scan3A_31 : i32 to index
        %swap3A_46 = arith.index_cast %mul3A_45 : i32 to index
        %swap3A_47 = tpu.vector_load %arg8[%swap3A, %swap3A_46] {strides = array<i32>} : memref<128x128xf32, #tpu.memory_space<vmem>>, vector<1x16xf32>,
        %swap3A_48 = vector.shape_cast %swap3A_47 : vector<1x16xf32> to vector<16xf32>
        %swap3A_49 = vector.shape_cast %broadcast_in_dim3A_43 : vector<16xf32> to vector<1x16xf32>
        tpu.vector_store %arg8[%swap3A, %swap3A_46], %swap3A_49 {strides = array<i32>} : memref<128x128xf32, #tpu.memory_space<vmem>>, vector<1x16xf32>,
        %scan3A_50 = arith.constant 0 : i32
        scf.yield %scan3A_50 : i32
      }
      %scan3A_39 = arith.constant 8 : i32
      %scan3A_40 = arith.constant 0 : i32
      scf.yield %scan3A_40 : i32
    }
    %scan3A_8 = arith.constant 128 : i32
    %scan3A_9 = arith.constant 0 : i32
    %scan3A_10 = arith.constant 0 : i32
    %scan3A_11 = arith.constant 5 : i32
    %scan3A_12 = arith.addi %scan3A_10, %scan3A_11 : i32
    %scan3A_13 = arith.constant 1 : i32
    %scan3A_14 = scf.for %scan3A_31 = %scan3A_10 to %scan3A_12 step %scan3A_13 iter_args(%scan3A_32 = %scan3A_9) -> (i32)  : i32 {
      %mul3A_33 = arith.constant 640 : i32
      %mul3A_34 = arith.muli %arg1, %mul3A_33 : i32
      %mul3A_35 = arith.constant 128 : i32
      %mul3A_36 = arith.muli %scan3A_31, %mul3A_35 : i32
      %add3A_37 = arith.addi %mul3A_34, %mul3A_36 : i32
      "tpu.region"() ({
        %run_scoped3A = tpu.sem_alloc : memref<!tpu.dma_semaphore, #tpu.memory_space<semaphore_mem>>
        %dma_start3A = arith.constant 0 : i32
        %dma_start3A_39 = tpu.memref_slice %arg10[%add3A_37, %dma_start3A] : memref<10240x128xf32, #tpu.memory_space<vmem_shared>> -> memref<128x128xf32, #tpu.memory_space<vmem_shared>>
        %dma_start3A_40 = arith.constant 0 : i32
        %dma_start3A_41 = tpu.memref_slice %arg10[%add3A_37, %dma_start3A_40] : memref<10240x128xf32, #tpu.memory_space<vmem_shared>> -> memref<128x128xf32, #tpu.memory_space<vmem_shared>>
        tpu.enqueue_dma source(%arg8 : memref<128x128xf32, #tpu.memory_space<vmem>>) target(%dma_start3A_41 : memref<128x128xf32, #tpu.memory_space<vmem_shared>>) target_semaphore(%run_scoped3A : memref<!tpu.dma_semaphore, #tpu.memory_space<semaphore_mem>>)
        %dma_wait3A = arith.constant 0 : i32
        %dma_wait3A_42 = tpu.memref_slice %arg10[%add3A_37, %dma_wait3A] : memref<10240x128xf32, #tpu.memory_space<vmem_shared>> -> memref<128x128xf32, #tpu.memory_space<vmem_shared>>
        %dma_wait3A_43 = arith.constant 0 : i32
        %dma_wait3A_44 = tpu.memref_slice %arg10[%add3A_37, %dma_wait3A_43] : memref<10240x128xf32, #tpu.memory_space<vmem_shared>> -> memref<128x128xf32, #tpu.memory_space<vmem_shared>>
        tpu.wait_dma2 semaphore(%run_scoped3A : memref<!tpu.dma_semaphore, #tpu.memory_space<semaphore_mem>>) src(%arg8 : memref<128x128xf32, #tpu.memory_space<vmem>>) dst(%dma_wait3A_44 : memref<128x128xf32, #tpu.memory_space<vmem_shared>>)
        tpu.yield
      }) : () -> ()
      %scan3A_38 = arith.constant 0 : i32
      scf.yield %scan3A_38 : i32
    }
    %scan3A_15 = arith.constant 5 : i32
    %barrier3A = arith.constant 0 : index
    tpu.barrier barrier_id(%barrier3A)
    %scan3A_16 = arith.constant 0 : i32
    %scan3A_17 = arith.constant 0 : i32
    %scan3A_18 = arith.constant 2 : i32
    %scan3A_19 = arith.addi %scan3A_17, %scan3A_18 : i32
    %scan3A_20 = arith.constant 1 : i32
    %scan3A_21 = scf.for %scan3A_31 = %scan3A_17 to %scan3A_19 step %scan3A_20 iter_args(%scan3A_32 = %scan3A_16) -> (i32)  : i32 {
      %mul3A_33 = arith.constant 40 : i32
      %mul3A_34 = arith.muli %scan3A_31, %mul3A_33 : i32
      %add3A_35 = arith.addi %mul3A_2, %mul3A_34 : i32
      "tpu.region"() ({
        %run_scoped3A = tpu.sem_alloc : memref<!tpu.dma_semaphore, #tpu.memory_space<semaphore_mem>>
        %dma_start3A = arith.constant 0 : i32
        %dma_start3A_44 = tpu.memref_slice %arg3[%add3A_35, %dma_start3A] : memref<2560x128xi32, #tpu.memory_space<hbm>> -> memref<40x128xi32, #tpu.memory_space<hbm>>
        %dma_start3A_45 = arith.constant 0 : i32
        %dma_start3A_46 = tpu.memref_slice %arg3[%add3A_35, %dma_start3A_45] : memref<2560x128xi32, #tpu.memory_space<hbm>> -> memref<40x128xi32, #tpu.memory_space<hbm>>
        tpu.enqueue_dma source(%dma_start3A_46 : memref<40x128xi32, #tpu.memory_space<hbm>>) target(%arg6 : memref<40x128xi32, #tpu.memory_space<vmem>>) target_semaphore(%run_scoped3A : memref<!tpu.dma_semaphore, #tpu.memory_space<semaphore_mem>>)
        %dma_wait3A = arith.constant 0 : i32
        %dma_wait3A_47 = tpu.memref_slice %arg3[%add3A_35, %dma_wait3A] : memref<2560x128xi32, #tpu.memory_space<hbm>> -> memref<40x128xi32, #tpu.memory_space<hbm>>
        %dma_wait3A_48 = arith.constant 0 : i32
        %dma_wait3A_49 = tpu.memref_slice %arg3[%add3A_35, %dma_wait3A_48] : memref<2560x128xi32, #tpu.memory_space<hbm>> -> memref<40x128xi32, #tpu.memory_space<hbm>>
        tpu.wait_dma2 semaphore(%run_scoped3A : memref<!tpu.dma_semaphore, #tpu.memory_space<semaphore_mem>>) src(%dma_wait3A_49 : memref<40x128xi32, #tpu.memory_space<hbm>>) dst(%arg6 : memref<40x128xi32, #tpu.memory_space<vmem>>)
        tpu.yield
      }) : () -> ()
      "tpu.region"() ({
        %run_scoped3A = tpu.sem_alloc : memref<!tpu.dma_semaphore, #tpu.memory_space<semaphore_mem>>
        %dma_start3A = arith.constant 0 : i32
        %dma_start3A_44 = tpu.memref_slice %arg4[%add3A_35, %dma_start3A] : memref<2560x128xi32, #tpu.memory_space<hbm>> -> memref<40x128xi32, #tpu.memory_space<hbm>>
        %dma_start3A_45 = arith.constant 0 : i32
        %dma_start3A_46 = tpu.memref_slice %arg4[%add3A_35, %dma_start3A_45] : memref<2560x128xi32, #tpu.memory_space<hbm>> -> memref<40x128xi32, #tpu.memory_space<hbm>>
        tpu.enqueue_dma source(%dma_start3A_46 : memref<40x128xi32, #tpu.memory_space<hbm>>) target(%arg7 : memref<40x128xi32, #tpu.memory_space<vmem>>) target_semaphore(%run_scoped3A : memref<!tpu.dma_semaphore, #tpu.memory_space<semaphore_mem>>)
        %dma_wait3A = arith.constant 0 : i32
        %dma_wait3A_47 = tpu.memref_slice %arg4[%add3A_35, %dma_wait3A] : memref<2560x128xi32, #tpu.memory_space<hbm>> -> memref<40x128xi32, #tpu.memory_space<hbm>>
        %dma_wait3A_48 = arith.constant 0 : i32
        %dma_wait3A_49 = tpu.memref_slice %arg4[%add3A_35, %dma_wait3A_48] : memref<2560x128xi32, #tpu.memory_space<hbm>> -> memref<40x128xi32, #tpu.memory_space<hbm>>
        tpu.wait_dma2 semaphore(%run_scoped3A : memref<!tpu.dma_semaphore, #tpu.memory_space<semaphore_mem>>) src(%dma_wait3A_49 : memref<40x128xi32, #tpu.memory_space<hbm>>) dst(%arg7 : memref<40x128xi32, #tpu.memory_space<vmem>>)
        tpu.yield
      }) : () -> ()
      %scan3A_36 = arith.constant 0 : i32
      %scan3A_37 = arith.constant 0 : i32
      %scan3A_38 = arith.constant 20 : i32
      %scan3A_39 = arith.addi %scan3A_37, %scan3A_38 : i32
      %scan3A_40 = arith.constant 1 : i32
      %scan3A_41 = scf.for %scan3A_44 = %scan3A_37 to %scan3A_39 step %scan3A_40 iter_args(%scan3A_45 = %scan3A_36) -> (i32)  : i32 {
        %mul3A_46 = arith.constant 2 : i32
        %mul3A_47 = arith.muli %mul3A_46, %scan3A_44 : i32
        %dma_start3A = arith.constant 0 : i32
        %dma_start3A_48 = tpu.memref_slice %arg6[%mul3A_47, %dma_start3A] : memref<40x128xi32, #tpu.memory_space<vmem>> -> memref<1x128xi32, #tpu.memory_space<vmem>>
        %dma_start3A_49 = tpu.memref_squeeze %dma_start3A_48 : memref<1x128xi32, #tpu.memory_space<vmem>> -> memref<128xi32, #tpu.memory_space<vmem>>
        %dma_start3A_50 = arith.constant 0 : i32
        %dma_start3A_51 = arith.constant 0 : i32
        %dma_start3A_52 = tpu.memref_slice %arg2[%dma_start3A_50, %dma_start3A_51] : memref<10240x128xf32, #tpu.memory_space<hbm>> -> memref<10240x128xf32, #tpu.memory_space<hbm>>
        tpu.enqueue_indirect_dma source(%dma_start3A_52 : memref<10240x128xf32, #tpu.memory_space<hbm>>) target(%arg8 : memref<128x128xf32, #tpu.memory_space<vmem>>) offsets(%dma_start3A_49 : memref<128xi32, #tpu.memory_space<vmem>>) semaphore(%arg11 : memref<!tpu.dma_semaphore, #tpu.memory_space<semaphore_mem>>)
        %mul3A_53 = arith.constant 2 : i32
        %mul3A_54 = arith.muli %mul3A_53, %scan3A_44 : i32
        %add3A_55 = arith.constant 1 : i32
        %add3A_56 = arith.addi %mul3A_54, %add3A_55 : i32
        %dma_start3A_57 = arith.constant 0 : i32
        %dma_start3A_58 = tpu.memref_slice %arg6[%add3A_56, %dma_start3A_57] : memref<40x128xi32, #tpu.memory_space<vmem>> -> memref<1x128xi32, #tpu.memory_space<vmem>>
        %dma_start3A_59 = tpu.memref_squeeze %dma_start3A_58 : memref<1x128xi32, #tpu.memory_space<vmem>> -> memref<128xi32, #tpu.memory_space<vmem>>
        %dma_start3A_60 = arith.constant 0 : i32
        %dma_start3A_61 = arith.constant 0 : i32
        %dma_start3A_62 = tpu.memref_slice %arg2[%dma_start3A_60, %dma_start3A_61] : memref<10240x128xf32, #tpu.memory_space<hbm>> -> memref<10240x128xf32, #tpu.memory_space<hbm>>
        tpu.enqueue_indirect_dma source(%dma_start3A_62 : memref<10240x128xf32, #tpu.memory_space<hbm>>) target(%arg9 : memref<128x128xf32, #tpu.memory_space<vmem>>) offsets(%dma_start3A_59 : memref<128xi32, #tpu.memory_space<vmem>>) semaphore(%arg12 : memref<!tpu.dma_semaphore, #tpu.memory_space<semaphore_mem>>)
        %dma_wait3A = arith.constant 0 : i32
        %dma_wait3A_63 = tpu.memref_slice %arg6[%mul3A_47, %dma_wait3A] : memref<40x128xi32, #tpu.memory_space<vmem>> -> memref<1x128xi32, #tpu.memory_space<vmem>>
        %dma_wait3A_64 = tpu.memref_squeeze %dma_wait3A_63 : memref<1x128xi32, #tpu.memory_space<vmem>> -> memref<128xi32, #tpu.memory_space<vmem>>
        %dma_wait3A_65 = arith.constant 0 : i32
        %dma_wait3A_66 = arith.constant 0 : i32
        %dma_wait3A_67 = tpu.memref_slice %arg2[%dma_wait3A_65, %dma_wait3A_66] : memref<10240x128xf32, #tpu.memory_space<hbm>> -> memref<10240x128xf32, #tpu.memory_space<hbm>>
        tpu.wait_indirect_dma semaphore(%arg11 : memref<!tpu.dma_semaphore, #tpu.memory_space<semaphore_mem>>) src(%dma_wait3A_67 : memref<10240x128xf32, #tpu.memory_space<hbm>>) dst(%arg8 : memref<128x128xf32, #tpu.memory_space<vmem>>)
        %mul3A_68 = arith.constant 2 : i32
        %mul3A_69 = arith.muli %mul3A_68, %scan3A_44 : i32
        %dma_start3A_70 = arith.constant 0 : i32
        %dma_start3A_71 = tpu.memref_slice %arg7[%mul3A_69, %dma_start3A_70] : memref<40x128xi32, #tpu.memory_space<vmem>> -> memref<1x128xi32, #tpu.memory_space<vmem>>
        %dma_start3A_72 = tpu.memref_squeeze %dma_start3A_71 : memref<1x128xi32, #tpu.memory_space<vmem>> -> memref<128xi32, #tpu.memory_space<vmem>>
        %dma_start3A_73 = arith.constant 0 : i32
        %dma_start3A_74 = arith.constant 0 : i32
        %dma_start3A_75 = tpu.memref_slice %arg10[%dma_start3A_73, %dma_start3A_74] : memref<10240x128xf32, #tpu.memory_space<vmem_shared>> -> memref<10240x128xf32, #tpu.memory_space<vmem_shared>>
        tpu.enqueue_indirect_dma source(%arg8 : memref<128x128xf32, #tpu.memory_space<vmem>>) target(%dma_start3A_75 : memref<10240x128xf32, #tpu.memory_space<vmem_shared>>) offsets(%dma_start3A_72 : memref<128xi32, #tpu.memory_space<vmem>>) semaphore(%arg13 : memref<!tpu.dma_semaphore, #tpu.memory_space<semaphore_mem>>) {add = true}
        %dma_wait3A_76 = arith.constant 0 : i32
        %dma_wait3A_77 = tpu.memref_slice %arg6[%add3A_56, %dma_wait3A_76] : memref<40x128xi32, #tpu.memory_space<vmem>> -> memref<1x128xi32, #tpu.memory_space<vmem>>
        %dma_wait3A_78 = tpu.memref_squeeze %dma_wait3A_77 : memref<1x128xi32, #tpu.memory_space<vmem>> -> memref<128xi32, #tpu.memory_space<vmem>>
        %dma_wait3A_79 = arith.constant 0 : i32
        %dma_wait3A_80 = arith.constant 0 : i32
        %dma_wait3A_81 = tpu.memref_slice %arg2[%dma_wait3A_79, %dma_wait3A_80] : memref<10240x128xf32, #tpu.memory_space<hbm>> -> memref<10240x128xf32, #tpu.memory_space<hbm>>
        tpu.wait_indirect_dma semaphore(%arg12 : memref<!tpu.dma_semaphore, #tpu.memory_space<semaphore_mem>>) src(%dma_wait3A_81 : memref<10240x128xf32, #tpu.memory_space<hbm>>) dst(%arg9 : memref<128x128xf32, #tpu.memory_space<vmem>>)
        %mul3A_82 = arith.constant 2 : i32
        %mul3A_83 = arith.muli %mul3A_82, %scan3A_44 : i32
        %add3A_84 = arith.constant 1 : i32
        %add3A_85 = arith.addi %mul3A_83, %add3A_84 : i32
        %dma_start3A_86 = arith.constant 0 : i32
        %dma_start3A_87 = tpu.memref_slice %arg7[%add3A_85, %dma_start3A_86] : memref<40x128xi32, #tpu.memory_space<vmem>> -> memref<1x128xi32, #tpu.memory_space<vmem>>
        %dma_start3A_88 = tpu.memref_squeeze %dma_start3A_87 : memref<1x128xi32, #tpu.memory_space<vmem>> -> memref<128xi32, #tpu.memory_space<vmem>>
        %dma_start3A_89 = arith.constant 0 : i32
        %dma_start3A_90 = arith.constant 0 : i32
        %dma_start3A_91 = tpu.memref_slice %arg10[%dma_start3A_89, %dma_start3A_90] : memref<10240x128xf32, #tpu.memory_space<vmem_shared>> -> memref<10240x128xf32, #tpu.memory_space<vmem_shared>>
        tpu.enqueue_indirect_dma source(%arg9 : memref<128x128xf32, #tpu.memory_space<vmem>>) target(%dma_start3A_91 : memref<10240x128xf32, #tpu.memory_space<vmem_shared>>) offsets(%dma_start3A_88 : memref<128xi32, #tpu.memory_space<vmem>>) semaphore(%arg14 : memref<!tpu.dma_semaphore, #tpu.memory_space<semaphore_mem>>) {add = true}
        %dma_wait3A_92 = arith.constant 0 : i32
        %dma_wait3A_93 = tpu.memref_slice %arg7[%mul3A_69, %dma_wait3A_92] : memref<40x128xi32, #tpu.memory_space<vmem>> -> memref<1x128xi32, #tpu.memory_space<vmem>>
        %dma_wait3A_94 = tpu.memref_squeeze %dma_wait3A_93 : memref<1x128xi32, #tpu.memory_space<vmem>> -> memref<128xi32, #tpu.memory_space<vmem>>
        %dma_wait3A_95 = arith.constant 0 : i32
        %dma_wait3A_96 = arith.constant 0 : i32
        %dma_wait3A_97 = tpu.memref_slice %arg10[%dma_wait3A_95, %dma_wait3A_96] : memref<10240x128xf32, #tpu.memory_space<vmem_shared>> -> memref<10240x128xf32, #tpu.memory_space<vmem_shared>>
        tpu.wait_indirect_dma semaphore(%arg13 : memref<!tpu.dma_semaphore, #tpu.memory_space<semaphore_mem>>) src(%arg8 : memref<128x128xf32, #tpu.memory_space<vmem>>) dst(%dma_wait3A_97 : memref<10240x128xf32, #tpu.memory_space<vmem_shared>>)
        %dma_wait3A_98 = arith.constant 0 : i32
        %dma_wait3A_99 = tpu.memref_slice %arg7[%add3A_85, %dma_wait3A_98] : memref<40x128xi32, #tpu.memory_space<vmem>> -> memref<1x128xi32, #tpu.memory_space<vmem>>
        %dma_wait3A_100 = tpu.memref_squeeze %dma_wait3A_99 : memref<1x128xi32, #tpu.memory_space<vmem>> -> memref<128xi32, #tpu.memory_space<vmem>>
        %dma_wait3A_101 = arith.constant 0 : i32
        %dma_wait3A_102 = arith.constant 0 : i32
        %dma_wait3A_103 = tpu.memref_slice %arg10[%dma_wait3A_101, %dma_wait3A_102] : memref<10240x128xf32, #tpu.memory_space<vmem_shared>> -> memref<10240x128xf32, #tpu.memory_space<vmem_shared>>
        tpu.wait_indirect_dma semaphore(%arg14 : memref<!tpu.dma_semaphore, #tpu.memory_space<semaphore_mem>>) src(%arg9 : memref<128x128xf32, #tpu.memory_space<vmem>>) dst(%dma_wait3A_103 : memref<10240x128xf32, #tpu.memory_space<vmem_shared>>)
        %scan3A_104 = arith.constant 0 : i32
        scf.yield %scan3A_104 : i32
      }
      %scan3A_42 = arith.constant 20 : i32
      %scan3A_43 = arith.constant 0 : i32
      scf.yield %scan3A_43 : i32
    }
    %scan3A_22 = arith.constant 2 : i32
    %barrier3A_23 = arith.constant 0 : index
    tpu.barrier barrier_id(%barrier3A_23)
    %mul3A_24 = arith.constant 640 : i32
    %mul3A_25 = arith.muli %arg1, %mul3A_24 : i32
    %mul3A_26 = arith.constant 10240 : i32
    %mul3A_27 = arith.muli %arg0, %mul3A_26 : i32
    %mul3A_28 = arith.constant 640 : i32
    %mul3A_29 = arith.muli %arg1, %mul3A_28 : i32
    %add3A_30 = arith.addi %mul3A_27, %mul3A_29 : i32
    "tpu.region"() ({
      %run_scoped3A = tpu.sem_alloc : memref<!tpu.dma_semaphore, #tpu.memory_space<semaphore_mem>>
      %dma_start3A = arith.constant 0 : i32
      %dma_start3A_31 = tpu.memref_slice %arg5[%add3A_30, %dma_start3A] : memref<20480x128xf32, #tpu.memory_space<hbm>> -> memref<640x128xf32, #tpu.memory_space<hbm>>
      %dma_start3A_32 = arith.constant 0 : i32
      %dma_start3A_33 = tpu.memref_slice %arg10[%mul3A_25, %dma_start3A_32] : memref<10240x128xf32, #tpu.memory_space<vmem_shared>> -> memref<640x128xf32, #tpu.memory_space<vmem_shared>>
      tpu.enqueue_dma source(%dma_start3A_33 : memref<640x128xf32, #tpu.memory_space<vmem_shared>>) target(%dma_start3A_31 : memref<640x128xf32, #tpu.memory_space<hbm>>) target_semaphore(%run_scoped3A : memref<!tpu.dma_semaphore, #tpu.memory_space<semaphore_mem>>)
      %dma_wait3A = arith.constant 0 : i32
      %dma_wait3A_34 = tpu.memref_slice %arg5[%add3A_30, %dma_wait3A] : memref<20480x128xf32, #tpu.memory_space<hbm>> -> memref<640x128xf32, #tpu.memory_space<hbm>>
      %dma_wait3A_35 = arith.constant 0 : i32
      %dma_wait3A_36 = tpu.memref_slice %arg10[%mul3A_25, %dma_wait3A_35] : memref<10240x128xf32, #tpu.memory_space<vmem_shared>> -> memref<640x128xf32, #tpu.memory_space<vmem_shared>>
      tpu.wait_dma2 semaphore(%run_scoped3A : memref<!tpu.dma_semaphore, #tpu.memory_space<semaphore_mem>>) src(%dma_wait3A_36 : memref<640x128xf32, #tpu.memory_space<vmem_shared>>) dst(%dma_wait3A_34 : memref<640x128xf32, #tpu.memory_space<hbm>>)
      tpu.yield
    }) : () -> ()
    return
  }
}

#map = affine_map<(d0, d1) -> (0, 0)>
module attributes {stable_mosaic.version = 14 : i64} {
  func.func @agg_kernel(%arg0: i32, %arg1: i32, %arg2: memref<10240x128xf32, #tpu.memory_space<hbm>>, %arg3: memref<2560x128xi32, #tpu.memory_space<hbm>>, %arg4: memref<2560x128xi32, #tpu.memory_space<hbm>>, %arg5: memref<20480x128xf32, #tpu.memory_space<hbm>>, %arg6: memref<40x128xi32, #tpu.memory_space<vmem>>, %arg7: memref<40x128xi32, #tpu.memory_space<vmem>>, %arg8: memref<128x128xf32, #tpu.memory_space<vmem>>, %arg9: memref<128x128xf32, #tpu.memory_space<vmem>>, %arg10: memref<10240x128xf32, #tpu.memory_space<vmem_shared>>, %arg11: memref<!tpu.dma_semaphore, #tpu.memory_space<semaphore_mem>>, %arg12: memref<!tpu.dma_semaphore, #tpu.memory_space<semaphore_mem>>, %arg13: memref<!tpu.dma_semaphore, #tpu.memory_space<semaphore_mem>>, %arg14: memref<!tpu.dma_semaphore, #tpu.memory_space<semaphore_mem>>) attributes {dimension_semantics = [#tpu.dimension_semantics<core_parallel>, #tpu.dimension_semantics<subcore_parallel>], iteration_bounds = array<i64: 2, 16>, scalar_prefetch = 0 : i64, scratch_operands = 9 : i64, tpu.core_type = #tpu.core_type<sc_vector_subcore>, window_params = [{transform_indices = #map}, {transform_indices = #map}, {transform_indices = #map}, {transform_indices = #map}]} {
    %mul3A = arith.constant 16 : i32
    %mul3A_0 = arith.muli %arg0, %mul3A : i32
    %add3A = arith.addi %mul3A_0, %arg1 : i32
    %mul3A_1 = arith.constant 80 : i32
    %mul3A_2 = arith.muli %add3A, %mul3A_1 : i32
    %scan3A = arith.constant 0 : i32
    %scan3A_3 = arith.constant 0 : i32
    %scan3A_4 = arith.constant 128 : i32
    %scan3A_5 = arith.addi %scan3A_3, %scan3A_4 : i32
    %scan3A_6 = arith.constant 1 : i32
    %scan3A_7 = scf.for %scan3A_31 = %scan3A_3 to %scan3A_5 step %scan3A_6 iter_args(%scan3A_32 = %scan3A) -> (i32)  : i32 {
      %scan3A_33 = arith.constant 0 : i32
      %scan3A_34 = arith.constant 0 : i32
      %scan3A_35 = arith.constant 8 : i32
      %scan3A_36 = arith.addi %scan3A_34, %scan3A_35 : i32
      %scan3A_37 = arith.constant 1 : i32
      %scan3A_38 = scf.for %scan3A_41 = %scan3A_34 to %scan3A_36 step %scan3A_37 iter_args(%scan3A_42 = %scan3A_33) -> (i32)  : i32 {
        %broadcast_in_dim3A = arith.constant 0.000000e+00 : f32
        %broadcast_in_dim3A_43 = vector.broadcast %broadcast_in_dim3A : f32 to vector<16xf32>
        %mul3A_44 = arith.constant 16 : i32
        %mul3A_45 = arith.muli %scan3A_41, %mul3A_44 : i32
        %swap3A = arith.index_cast %scan3A_31 : i32 to index
        %swap3A_46 = arith.index_cast %mul3A_45 : i32 to index
        %swap3A_47 = tpu.vector_load %arg8[%swap3A, %swap3A_46] {strides = array<i32>} : memref<128x128xf32, #tpu.memory_space<vmem>>, vector<1x16xf32>,
        %swap3A_48 = vector.shape_cast %swap3A_47 : vector<1x16xf32> to vector<16xf32>
        %swap3A_49 = vector.shape_cast %broadcast_in_dim3A_43 : vector<16xf32> to vector<1x16xf32>
        tpu.vector_store %arg8[%swap3A, %swap3A_46], %swap3A_49 {strides = array<i32>} : memref<128x128xf32, #tpu.memory_space<vmem>>, vector<1x16xf32>,
        %scan3A_50 = arith.constant 0 : i32
        scf.yield %scan3A_50 : i32
      }
      %scan3A_39 = arith.constant 8 : i32
      %scan3A_40 = arith.constant 0 : i32
      scf.yield %scan3A_40 : i32
    }
    %scan3A_8 = arith.constant 128 : i32
    %scan3A_9 = arith.constant 0 : i32
    %scan3A_10 = arith.constant 0 : i32
    %scan3A_11 = arith.constant 5 : i32
    %scan3A_12 = arith.addi %scan3A_10, %scan3A_11 : i32
    %scan3A_13 = arith.constant 1 : i32
    %scan3A_14 = scf.for %scan3A_31 = %scan3A_10 to %scan3A_12 step %scan3A_13 iter_args(%scan3A_32 = %scan3A_9) -> (i32)  : i32 {
      %mul3A_33 = arith.constant 640 : i32
      %mul3A_34 = arith.muli %arg1, %mul3A_33 : i32
      %mul3A_35 = arith.constant 128 : i32
      %mul3A_36 = arith.muli %scan3A_31, %mul3A_35 : i32
      %add3A_37 = arith.addi %mul3A_34, %mul3A_36 : i32
      "tpu.region"() ({
        %run_scoped3A = tpu.sem_alloc : memref<!tpu.dma_semaphore, #tpu.memory_space<semaphore_mem>>
        %dma_start3A = arith.constant 0 : i32
        %dma_start3A_39 = tpu.memref_slice %arg10[%add3A_37, %dma_start3A] : memref<10240x128xf32, #tpu.memory_space<vmem_shared>> -> memref<128x128xf32, #tpu.memory_space<vmem_shared>>
        %dma_start3A_40 = arith.constant 0 : i32
        %dma_start3A_41 = tpu.memref_slice %arg10[%add3A_37, %dma_start3A_40] : memref<10240x128xf32, #tpu.memory_space<vmem_shared>> -> memref<128x128xf32, #tpu.memory_space<vmem_shared>>
        tpu.enqueue_dma source(%arg8 : memref<128x128xf32, #tpu.memory_space<vmem>>) target(%dma_start3A_41 : memref<128x128xf32, #tpu.memory_space<vmem_shared>>) target_semaphore(%run_scoped3A : memref<!tpu.dma_semaphore, #tpu.memory_space<semaphore_mem>>)
        %dma_wait3A = arith.constant 0 : i32
        %dma_wait3A_42 = tpu.memref_slice %arg10[%add3A_37, %dma_wait3A] : memref<10240x128xf32, #tpu.memory_space<vmem_shared>> -> memref<128x128xf32, #tpu.memory_space<vmem_shared>>
        %dma_wait3A_43 = arith.constant 0 : i32
        %dma_wait3A_44 = tpu.memref_slice %arg10[%add3A_37, %dma_wait3A_43] : memref<10240x128xf32, #tpu.memory_space<vmem_shared>> -> memref<128x128xf32, #tpu.memory_space<vmem_shared>>
        tpu.wait_dma2 semaphore(%run_scoped3A : memref<!tpu.dma_semaphore, #tpu.memory_space<semaphore_mem>>) src(%arg8 : memref<128x128xf32, #tpu.memory_space<vmem>>) dst(%dma_wait3A_44 : memref<128x128xf32, #tpu.memory_space<vmem_shared>>)
        tpu.yield
      }) : () -> ()
      %scan3A_38 = arith.constant 0 : i32
      scf.yield %scan3A_38 : i32
    }
    %scan3A_15 = arith.constant 5 : i32
    %barrier3A = arith.constant 0 : index
    tpu.barrier barrier_id(%barrier3A)
    %scan3A_16 = arith.constant 0 : i32
    %scan3A_17 = arith.constant 0 : i32
    %scan3A_18 = arith.constant 2 : i32
    %scan3A_19 = arith.addi %scan3A_17, %scan3A_18 : i32
    %scan3A_20 = arith.constant 1 : i32
    %scan3A_21 = scf.for %scan3A_31 = %scan3A_17 to %scan3A_19 step %scan3A_20 iter_args(%scan3A_32 = %scan3A_16) -> (i32)  : i32 {
      %mul3A_33 = arith.constant 40 : i32
      %mul3A_34 = arith.muli %scan3A_31, %mul3A_33 : i32
      %add3A_35 = arith.addi %mul3A_2, %mul3A_34 : i32
      "tpu.region"() ({
        %run_scoped3A = tpu.sem_alloc : memref<!tpu.dma_semaphore, #tpu.memory_space<semaphore_mem>>
        %dma_start3A = arith.constant 0 : i32
        %dma_start3A_44 = tpu.memref_slice %arg3[%add3A_35, %dma_start3A] : memref<2560x128xi32, #tpu.memory_space<hbm>> -> memref<40x128xi32, #tpu.memory_space<hbm>>
        %dma_start3A_45 = arith.constant 0 : i32
        %dma_start3A_46 = tpu.memref_slice %arg3[%add3A_35, %dma_start3A_45] : memref<2560x128xi32, #tpu.memory_space<hbm>> -> memref<40x128xi32, #tpu.memory_space<hbm>>
        tpu.enqueue_dma source(%dma_start3A_46 : memref<40x128xi32, #tpu.memory_space<hbm>>) target(%arg6 : memref<40x128xi32, #tpu.memory_space<vmem>>) target_semaphore(%run_scoped3A : memref<!tpu.dma_semaphore, #tpu.memory_space<semaphore_mem>>)
        %dma_wait3A = arith.constant 0 : i32
        %dma_wait3A_47 = tpu.memref_slice %arg3[%add3A_35, %dma_wait3A] : memref<2560x128xi32, #tpu.memory_space<hbm>> -> memref<40x128xi32, #tpu.memory_space<hbm>>
        %dma_wait3A_48 = arith.constant 0 : i32
        %dma_wait3A_49 = tpu.memref_slice %arg3[%add3A_35, %dma_wait3A_48] : memref<2560x128xi32, #tpu.memory_space<hbm>> -> memref<40x128xi32, #tpu.memory_space<hbm>>
        tpu.wait_dma2 semaphore(%run_scoped3A : memref<!tpu.dma_semaphore, #tpu.memory_space<semaphore_mem>>) src(%dma_wait3A_49 : memref<40x128xi32, #tpu.memory_space<hbm>>) dst(%arg6 : memref<40x128xi32, #tpu.memory_space<vmem>>)
        tpu.yield
      }) : () -> ()
      "tpu.region"() ({
        %run_scoped3A = tpu.sem_alloc : memref<!tpu.dma_semaphore, #tpu.memory_space<semaphore_mem>>
        %dma_start3A = arith.constant 0 : i32
        %dma_start3A_44 = tpu.memref_slice %arg4[%add3A_35, %dma_start3A] : memref<2560x128xi32, #tpu.memory_space<hbm>> -> memref<40x128xi32, #tpu.memory_space<hbm>>
        %dma_start3A_45 = arith.constant 0 : i32
        %dma_start3A_46 = tpu.memref_slice %arg4[%add3A_35, %dma_start3A_45] : memref<2560x128xi32, #tpu.memory_space<hbm>> -> memref<40x128xi32, #tpu.memory_space<hbm>>
        tpu.enqueue_dma source(%dma_start3A_46 : memref<40x128xi32, #tpu.memory_space<hbm>>) target(%arg7 : memref<40x128xi32, #tpu.memory_space<vmem>>) target_semaphore(%run_scoped3A : memref<!tpu.dma_semaphore, #tpu.memory_space<semaphore_mem>>)
        %dma_wait3A = arith.constant 0 : i32
        %dma_wait3A_47 = tpu.memref_slice %arg4[%add3A_35, %dma_wait3A] : memref<2560x128xi32, #tpu.memory_space<hbm>> -> memref<40x128xi32, #tpu.memory_space<hbm>>
        %dma_wait3A_48 = arith.constant 0 : i32
        %dma_wait3A_49 = tpu.memref_slice %arg4[%add3A_35, %dma_wait3A_48] : memref<2560x128xi32, #tpu.memory_space<hbm>> -> memref<40x128xi32, #tpu.memory_space<hbm>>
        tpu.wait_dma2 semaphore(%run_scoped3A : memref<!tpu.dma_semaphore, #tpu.memory_space<semaphore_mem>>) src(%dma_wait3A_49 : memref<40x128xi32, #tpu.memory_space<hbm>>) dst(%arg7 : memref<40x128xi32, #tpu.memory_space<vmem>>)
        tpu.yield
      }) : () -> ()
      %scan3A_36 = arith.constant 0 : i32
      %scan3A_37 = arith.constant 0 : i32
      %scan3A_38 = arith.constant 20 : i32
      %scan3A_39 = arith.addi %scan3A_37, %scan3A_38 : i32
      %scan3A_40 = arith.constant 1 : i32
      %scan3A_41 = scf.for %scan3A_44 = %scan3A_37 to %scan3A_39 step %scan3A_40 iter_args(%scan3A_45 = %scan3A_36) -> (i32)  : i32 {
        %mul3A_46 = arith.constant 2 : i32
        %mul3A_47 = arith.muli %mul3A_46, %scan3A_44 : i32
        %dma_start3A = arith.constant 0 : i32
        %dma_start3A_48 = tpu.memref_slice %arg6[%mul3A_47, %dma_start3A] : memref<40x128xi32, #tpu.memory_space<vmem>> -> memref<1x128xi32, #tpu.memory_space<vmem>>
        %dma_start3A_49 = tpu.memref_squeeze %dma_start3A_48 : memref<1x128xi32, #tpu.memory_space<vmem>> -> memref<128xi32, #tpu.memory_space<vmem>>
        %dma_start3A_50 = arith.constant 0 : i32
        %dma_start3A_51 = arith.constant 0 : i32
        %dma_start3A_52 = tpu.memref_slice %arg2[%dma_start3A_50, %dma_start3A_51] : memref<10240x128xf32, #tpu.memory_space<hbm>> -> memref<10240x128xf32, #tpu.memory_space<hbm>>
        tpu.enqueue_indirect_dma source(%dma_start3A_52 : memref<10240x128xf32, #tpu.memory_space<hbm>>) target(%arg8 : memref<128x128xf32, #tpu.memory_space<vmem>>) offsets(%dma_start3A_49 : memref<128xi32, #tpu.memory_space<vmem>>) semaphore(%arg11 : memref<!tpu.dma_semaphore, #tpu.memory_space<semaphore_mem>>)
        %mul3A_53 = arith.constant 2 : i32
        %mul3A_54 = arith.muli %mul3A_53, %scan3A_44 : i32
        %add3A_55 = arith.constant 1 : i32
        %add3A_56 = arith.addi %mul3A_54, %add3A_55 : i32
        %dma_start3A_57 = arith.constant 0 : i32
        %dma_start3A_58 = tpu.memref_slice %arg6[%add3A_56, %dma_start3A_57] : memref<40x128xi32, #tpu.memory_space<vmem>> -> memref<1x128xi32, #tpu.memory_space<vmem>>
        %dma_start3A_59 = tpu.memref_squeeze %dma_start3A_58 : memref<1x128xi32, #tpu.memory_space<vmem>> -> memref<128xi32, #tpu.memory_space<vmem>>
        %dma_start3A_60 = arith.constant 0 : i32
        %dma_start3A_61 = arith.constant 0 : i32
        %dma_start3A_62 = tpu.memref_slice %arg2[%dma_start3A_60, %dma_start3A_61] : memref<10240x128xf32, #tpu.memory_space<hbm>> -> memref<10240x128xf32, #tpu.memory_space<hbm>>
        tpu.enqueue_indirect_dma source(%dma_start3A_62 : memref<10240x128xf32, #tpu.memory_space<hbm>>) target(%arg9 : memref<128x128xf32, #tpu.memory_space<vmem>>) offsets(%dma_start3A_59 : memref<128xi32, #tpu.memory_space<vmem>>) semaphore(%arg12 : memref<!tpu.dma_semaphore, #tpu.memory_space<semaphore_mem>>)
        %dma_wait3A = arith.constant 0 : i32
        %dma_wait3A_63 = tpu.memref_slice %arg6[%mul3A_47, %dma_wait3A] : memref<40x128xi32, #tpu.memory_space<vmem>> -> memref<1x128xi32, #tpu.memory_space<vmem>>
        %dma_wait3A_64 = tpu.memref_squeeze %dma_wait3A_63 : memref<1x128xi32, #tpu.memory_space<vmem>> -> memref<128xi32, #tpu.memory_space<vmem>>
        %dma_wait3A_65 = arith.constant 0 : i32
        %dma_wait3A_66 = arith.constant 0 : i32
        %dma_wait3A_67 = tpu.memref_slice %arg2[%dma_wait3A_65, %dma_wait3A_66] : memref<10240x128xf32, #tpu.memory_space<hbm>> -> memref<10240x128xf32, #tpu.memory_space<hbm>>
        tpu.wait_indirect_dma semaphore(%arg11 : memref<!tpu.dma_semaphore, #tpu.memory_space<semaphore_mem>>) src(%dma_wait3A_67 : memref<10240x128xf32, #tpu.memory_space<hbm>>) dst(%arg8 : memref<128x128xf32, #tpu.memory_space<vmem>>)
        %mul3A_68 = arith.constant 2 : i32
        %mul3A_69 = arith.muli %mul3A_68, %scan3A_44 : i32
        %dma_start3A_70 = arith.constant 0 : i32
        %dma_start3A_71 = tpu.memref_slice %arg7[%mul3A_69, %dma_start3A_70] : memref<40x128xi32, #tpu.memory_space<vmem>> -> memref<1x128xi32, #tpu.memory_space<vmem>>
        %dma_start3A_72 = tpu.memref_squeeze %dma_start3A_71 : memref<1x128xi32, #tpu.memory_space<vmem>> -> memref<128xi32, #tpu.memory_space<vmem>>
        %dma_start3A_73 = arith.constant 0 : i32
        %dma_start3A_74 = arith.constant 0 : i32
        %dma_start3A_75 = tpu.memref_slice %arg10[%dma_start3A_73, %dma_start3A_74] : memref<10240x128xf32, #tpu.memory_space<vmem_shared>> -> memref<10240x128xf32, #tpu.memory_space<vmem_shared>>
        tpu.enqueue_indirect_dma source(%arg8 : memref<128x128xf32, #tpu.memory_space<vmem>>) target(%dma_start3A_75 : memref<10240x128xf32, #tpu.memory_space<vmem_shared>>) offsets(%dma_start3A_72 : memref<128xi32, #tpu.memory_space<vmem>>) semaphore(%arg13 : memref<!tpu.dma_semaphore, #tpu.memory_space<semaphore_mem>>) {add = true}
        %dma_wait3A_76 = arith.constant 0 : i32
        %dma_wait3A_77 = tpu.memref_slice %arg6[%add3A_56, %dma_wait3A_76] : memref<40x128xi32, #tpu.memory_space<vmem>> -> memref<1x128xi32, #tpu.memory_space<vmem>>
        %dma_wait3A_78 = tpu.memref_squeeze %dma_wait3A_77 : memref<1x128xi32, #tpu.memory_space<vmem>> -> memref<128xi32, #tpu.memory_space<vmem>>
        %dma_wait3A_79 = arith.constant 0 : i32
        %dma_wait3A_80 = arith.constant 0 : i32
        %dma_wait3A_81 = tpu.memref_slice %arg2[%dma_wait3A_79, %dma_wait3A_80] : memref<10240x128xf32, #tpu.memory_space<hbm>> -> memref<10240x128xf32, #tpu.memory_space<hbm>>
        tpu.wait_indirect_dma semaphore(%arg12 : memref<!tpu.dma_semaphore, #tpu.memory_space<semaphore_mem>>) src(%dma_wait3A_81 : memref<10240x128xf32, #tpu.memory_space<hbm>>) dst(%arg9 : memref<128x128xf32, #tpu.memory_space<vmem>>)
        %mul3A_82 = arith.constant 2 : i32
        %mul3A_83 = arith.muli %mul3A_82, %scan3A_44 : i32
        %add3A_84 = arith.constant 1 : i32
        %add3A_85 = arith.addi %mul3A_83, %add3A_84 : i32
        %dma_start3A_86 = arith.constant 0 : i32
        %dma_start3A_87 = tpu.memref_slice %arg7[%add3A_85, %dma_start3A_86] : memref<40x128xi32, #tpu.memory_space<vmem>> -> memref<1x128xi32, #tpu.memory_space<vmem>>
        %dma_start3A_88 = tpu.memref_squeeze %dma_start3A_87 : memref<1x128xi32, #tpu.memory_space<vmem>> -> memref<128xi32, #tpu.memory_space<vmem>>
        %dma_start3A_89 = arith.constant 0 : i32
        %dma_start3A_90 = arith.constant 0 : i32
        %dma_start3A_91 = tpu.memref_slice %arg10[%dma_start3A_89, %dma_start3A_90] : memref<10240x128xf32, #tpu.memory_space<vmem_shared>> -> memref<10240x128xf32, #tpu.memory_space<vmem_shared>>
        tpu.enqueue_indirect_dma source(%arg9 : memref<128x128xf32, #tpu.memory_space<vmem>>) target(%dma_start3A_91 : memref<10240x128xf32, #tpu.memory_space<vmem_shared>>) offsets(%dma_start3A_88 : memref<128xi32, #tpu.memory_space<vmem>>) semaphore(%arg14 : memref<!tpu.dma_semaphore, #tpu.memory_space<semaphore_mem>>) {add = true}
        %dma_wait3A_92 = arith.constant 0 : i32
        %dma_wait3A_93 = tpu.memref_slice %arg7[%mul3A_69, %dma_wait3A_92] : memref<40x128xi32, #tpu.memory_space<vmem>> -> memref<1x128xi32, #tpu.memory_space<vmem>>
        %dma_wait3A_94 = tpu.memref_squeeze %dma_wait3A_93 : memref<1x128xi32, #tpu.memory_space<vmem>> -> memref<128xi32, #tpu.memory_space<vmem>>
        %dma_wait3A_95 = arith.constant 0 : i32
        %dma_wait3A_96 = arith.constant 0 : i32
        %dma_wait3A_97 = tpu.memref_slice %arg10[%dma_wait3A_95, %dma_wait3A_96] : memref<10240x128xf32, #tpu.memory_space<vmem_shared>> -> memref<10240x128xf32, #tpu.memory_space<vmem_shared>>
        tpu.wait_indirect_dma semaphore(%arg13 : memref<!tpu.dma_semaphore, #tpu.memory_space<semaphore_mem>>) src(%arg8 : memref<128x128xf32, #tpu.memory_space<vmem>>) dst(%dma_wait3A_97 : memref<10240x128xf32, #tpu.memory_space<vmem_shared>>)
        %dma_wait3A_98 = arith.constant 0 : i32
        %dma_wait3A_99 = tpu.memref_slice %arg7[%add3A_85, %dma_wait3A_98] : memref<40x128xi32, #tpu.memory_space<vmem>> -> memref<1x128xi32, #tpu.memory_space<vmem>>
        %dma_wait3A_100 = tpu.memref_squeeze %dma_wait3A_99 : memref<1x128xi32, #tpu.memory_space<vmem>> -> memref<128xi32, #tpu.memory_space<vmem>>
        %dma_wait3A_101 = arith.constant 0 : i32
        %dma_wait3A_102 = arith.constant 0 : i32
        %dma_wait3A_103 = tpu.memref_slice %arg10[%dma_wait3A_101, %dma_wait3A_102] : memref<10240x128xf32, #tpu.memory_space<vmem_shared>> -> memref<10240x128xf32, #tpu.memory_space<vmem_shared>>
        tpu.wait_indirect_dma semaphore(%arg14 : memref<!tpu.dma_semaphore, #tpu.memory_space<semaphore_mem>>) src(%arg9 : memref<128x128xf32, #tpu.memory_space<vmem>>) dst(%dma_wait3A_103 : memref<10240x128xf32, #tpu.memory_space<vmem_shared>>)
        %scan3A_104 = arith.constant 0 : i32
        scf.yield %scan3A_104 : i32
      }
      %scan3A_42 = arith.constant 20 : i32
      %scan3A_43 = arith.constant 0 : i32
      scf.yield %scan3A_43 : i32
    }
    %scan3A_22 = arith.constant 2 : i32
    %barrier3A_23 = arith.constant 0 : index
    tpu.barrier barrier_id(%barrier3A_23)
    %mul3A_24 = arith.constant 640 : i32
    %mul3A_25 = arith.muli %arg1, %mul3A_24 : i32
    %mul3A_26 = arith.constant 10240 : i32
    %mul3A_27 = arith.muli %arg0, %mul3A_26 : i32
    %mul3A_28 = arith.constant 640 : i32
    %mul3A_29 = arith.muli %arg1, %mul3A_28 : i32
    %add3A_30 = arith.addi %mul3A_27, %mul3A_29 : i32
    "tpu.region"() ({
      %run_scoped3A = tpu.sem_alloc : memref<!tpu.dma_semaphore, #tpu.memory_space<semaphore_mem>>
      %dma_start3A = arith.constant 0 : i32
      %dma_start3A_31 = tpu.memref_slice %arg5[%add3A_30, %dma_start3A] : memref<20480x128xf32, #tpu.memory_space<hbm>> -> memref<640x128xf32, #tpu.memory_space<hbm>>
      %dma_start3A_32 = arith.constant 0 : i32
      %dma_start3A_33 = tpu.memref_slice %arg10[%mul3A_25, %dma_start3A_32] : memref<10240x128xf32, #tpu.memory_space<vmem_shared>> -> memref<640x128xf32, #tpu.memory_space<vmem_shared>>
      tpu.enqueue_dma source(%dma_start3A_33 : memref<640x128xf32, #tpu.memory_space<vmem_shared>>) target(%dma_start3A_31 : memref<640x128xf32, #tpu.memory_space<hbm>>) target_semaphore(%run_scoped3A : memref<!tpu.dma_semaphore, #tpu.memory_space<semaphore_mem>>)
      %dma_wait3A = arith.constant 0 : i32
      %dma_wait3A_34 = tpu.memref_slice %arg5[%add3A_30, %dma_wait3A] : memref<20480x128xf32, #tpu.memory_space<hbm>> -> memref<640x128xf32, #tpu.memory_space<hbm>>
      %dma_wait3A_35 = arith.constant 0 : i32
      %dma_wait3A_36 = tpu.memref_slice %arg10[%mul3A_25, %dma_wait3A_35] : memref<10240x128xf32, #tpu.memory_space<vmem_shared>> -> memref<640x128xf32, #tpu.memory_space<vmem_shared>>
      tpu.wait_dma2 semaphore(%run_scoped3A : memref<!tpu.dma_semaphore, #tpu.memory_space<semaphore_mem>>) src(%dma_wait3A_36 : memref<640x128xf32, #tpu.memory_space<vmem_shared>>) dst(%dma_wait3A_34 : memref<640x128xf32, #tpu.memory_space<hbm>>)
      tpu.yield
    }) : () -> ()
    return
  }
}

module attributes {stable_mosaic.version = 14 : i64} {
  func.func @_tca_body(%arg0: i32, %arg1: memref<512x128xf32, #tpu.memory_space<vmem>>, %arg2: memref<512x128xf32, #tpu.memory_space<vmem>>, %arg3: memref<512x128xf32, #tpu.memory_space<vmem>>, %arg4: memref<512x128xf32, #tpu.memory_space<vmem>>, %arg5: memref<512x1xf32, #tpu.memory_space<vmem>>) attributes {dimension_semantics = [#tpu.dimension_semantics<arbitrary>], iteration_bounds = array<i64: 20>, scalar_prefetch = 0 : i64, scratch_operands = 0 : i64, tpu.core_type = #tpu.core_type<tc>, window_params = [{transform_indices = @transform_0, window_bounds = array<i64: 512, 128>}, {transform_indices = @transform_1, window_bounds = array<i64: 512, 128>}, {transform_indices = @transform_2, window_bounds = array<i64: 512, 128>}, {transform_indices = @transform_3, window_bounds = array<i64: 512, 128>}, {transform_indices = @transform_4, window_bounds = array<i64: 512, 1>}]} {
    %get3A = arith.constant 0 : index
    %get3A_0 = arith.constant 0 : index
    %get3A_1 = vector.load %arg2[%get3A, %get3A_0] : memref<512x128xf32, #tpu.memory_space<vmem>>, vector<512x1xf32>
    %get3A_2 = arith.constant 0 : index
    %get3A_3 = arith.constant 0 : index
    %get3A_4 = vector.load %arg3[%get3A_2, %get3A_3] : memref<512x128xf32, #tpu.memory_space<vmem>>, vector<512x1xf32>
    %add3A = arith.addf %get3A_1, %get3A_4 : vector<512x1xf32>
    %add3A_5 = arith.constant 1.000000e+00 : f32
    %add3A_6 = vector.broadcast %add3A_5 : f32 to vector<512x1xf32>
    %add3A_7 = arith.addf %add3A, %add3A_6 : vector<512x1xf32>
    %rsqrt3A = math.rsqrt %add3A_7 : vector<512x1xf32>
    %swap3A = arith.constant 0 : index
    %swap3A_8 = arith.constant 0 : index
    %swap3A_9 = vector.load %arg5[%swap3A, %swap3A_8] : memref<512x1xf32, #tpu.memory_space<vmem>>, vector<512x1xf32>
    tpu.vector_store %arg5[%swap3A, %swap3A_8], %rsqrt3A {strides = array<i32>} : memref<512x1xf32, #tpu.memory_space<vmem>>, vector<512x1xf32>,
    %get3A_10 = arith.constant 0 : index
    %get3A_11 = arith.constant 0 : index
    %get3A_12 = vector.load %arg1[%get3A_10, %get3A_11] : memref<512x128xf32, #tpu.memory_space<vmem>>, vector<512x128xf32>
    %mul3A = vector.broadcast %rsqrt3A : vector<512x1xf32> to vector<512x128xf32>
    %mul3A_13 = arith.mulf %mul3A, %get3A_12 : vector<512x128xf32>
    %swap3A_14 = arith.constant 0 : index
    %swap3A_15 = arith.constant 0 : index
    %swap3A_16 = vector.load %arg4[%swap3A_14, %swap3A_15] : memref<512x128xf32, #tpu.memory_space<vmem>>, vector<512x128xf32>
    tpu.vector_store %arg4[%swap3A_14, %swap3A_15], %mul3A_13 {strides = array<i32>} : memref<512x128xf32, #tpu.memory_space<vmem>>, vector<512x128xf32>,
    return
  }
  func.func @transform_0(%arg0: i32) -> (i32, i32) {
    %c0_i32 = arith.constant 0 : i32
    %c0_i32_0 = arith.constant 0 : i32
    return %arg0, %c0_i32 : i32, i32
  }
  func.func @transform_1(%arg0: i32) -> (i32, i32) {
    %c0_i32 = arith.constant 0 : i32
    %c0_i32_0 = arith.constant 0 : i32
    return %arg0, %c0_i32 : i32, i32
  }
  func.func @transform_2(%arg0: i32) -> (i32, i32) {
    %add3A = arith.constant 20 : i32
    %add3A_0 = arith.addi %arg0, %add3A : i32
    %c0_i32 = arith.constant 0 : i32
    %c0_i32_1 = arith.constant 0 : i32
    return %add3A_0, %c0_i32 : i32, i32
  }
  func.func @transform_3(%arg0: i32) -> (i32, i32) {
    %c0_i32 = arith.constant 0 : i32
    %c0_i32_0 = arith.constant 0 : i32
    return %arg0, %c0_i32 : i32, i32
  }
  func.func @transform_4(%arg0: i32) -> (i32, i32) {
    %c0_i32 = arith.constant 0 : i32
    %c0_i32_0 = arith.constant 0 : i32
    return %arg0, %c0_i32 : i32, i32
  }
}

module attributes {stable_mosaic.version = 14 : i64} {
  func.func @_tc3_body(%arg0: i32, %arg1: memref<2x400x128xf32, #tpu.memory_space<vmem>>, %arg2: memref<400x128xf32, #tpu.memory_space<vmem>>, %arg3: memref<400x1xf32, #tpu.memory_space<vmem>>, %arg4: memref<1x128xf32, #tpu.memory_space<vmem>>, %arg5: memref<400x128xf32, #tpu.memory_space<vmem>>) attributes {dimension_semantics = [#tpu.dimension_semantics<arbitrary>], iteration_bounds = array<i64: 25>, scalar_prefetch = 0 : i64, scratch_operands = 0 : i64, tpu.core_type = #tpu.core_type<tc>, window_params = [{transform_indices = @transform_0, window_bounds = array<i64: 2, 400, 128>}, {transform_indices = @transform_1, window_bounds = array<i64: 400, 128>}, {transform_indices = @transform_2, window_bounds = array<i64: 400, 1>}, {pipeline_mode = #tpu.pipeline_mode<synchronous>, transform_indices = @transform_3, window_bounds = array<i64: 1, 128>}, {transform_indices = @transform_4, window_bounds = array<i64: 400, 128>}]} {
    %get3A = arith.constant 0 : index
    %get3A_0 = arith.constant 0 : index
    %get3A_1 = vector.load %arg3[%get3A, %get3A_0] : memref<400x1xf32, #tpu.memory_space<vmem>>, vector<400x1xf32>
    %get3A_2 = arith.constant 0 : index
    %get3A_3 = arith.constant 0 : index
    %get3A_4 = arith.constant 0 : index
    %get3A_5 = vector.load %arg1[%get3A_2, %get3A_3, %get3A_4] : memref<2x400x128xf32, #tpu.memory_space<vmem>>, vector<1x400x128xf32>
    %get3A_6 = vector.shape_cast %get3A_5 : vector<1x400x128xf32> to vector<400x128xf32>
    %get3A_7 = arith.constant 1 : index
    %get3A_8 = arith.constant 0 : index
    %get3A_9 = arith.constant 0 : index
    %get3A_10 = vector.load %arg1[%get3A_7, %get3A_8, %get3A_9] : memref<2x400x128xf32, #tpu.memory_space<vmem>>, vector<1x400x128xf32>
    %get3A_11 = vector.shape_cast %get3A_10 : vector<1x400x128xf32> to vector<400x128xf32>
    %add3A = arith.addf %get3A_6, %get3A_11 : vector<400x128xf32>
    %get3A_12 = arith.constant 0 : index
    %get3A_13 = arith.constant 0 : index
    %get3A_14 = vector.load %arg2[%get3A_12, %get3A_13] : memref<400x128xf32, #tpu.memory_space<vmem>>, vector<400x128xf32>
    %add3A_15 = arith.addf %add3A, %get3A_14 : vector<400x128xf32>
    %mul3A = vector.broadcast %get3A_1 : vector<400x1xf32> to vector<400x128xf32>
    %mul3A_16 = arith.mulf %mul3A, %add3A_15 : vector<400x128xf32>
    %get3A_17 = arith.constant 0 : index
    %get3A_18 = arith.constant 0 : index
    %get3A_19 = vector.load %arg4[%get3A_17, %get3A_18] : memref<1x128xf32, #tpu.memory_space<vmem>>, vector<1x128xf32>
    %add3A_20 = vector.broadcast %get3A_19 : vector<1x128xf32> to vector<400x128xf32>
    %add3A_21 = arith.addf %mul3A_16, %add3A_20 : vector<400x128xf32>
    %max3A = arith.constant 0.000000e+00 : f32
    %max3A_22 = vector.broadcast %max3A : f32 to vector<400x128xf32>
    %max3A_23 = arith.maximumf %add3A_21, %max3A_22 : vector<400x128xf32>
    %swap3A = arith.constant 0 : index
    %swap3A_24 = arith.constant 0 : index
    %swap3A_25 = vector.load %arg5[%swap3A, %swap3A_24] : memref<400x128xf32, #tpu.memory_space<vmem>>, vector<400x128xf32>
    tpu.vector_store %arg5[%swap3A, %swap3A_24], %max3A_23 {strides = array<i32>} : memref<400x128xf32, #tpu.memory_space<vmem>>, vector<400x128xf32>,
    return
  }
  func.func @transform_0(%arg0: i32) -> (i32, i32, i32) {
    %c0_i32 = arith.constant 0 : i32
    %c0_i32_0 = arith.constant 0 : i32
    %c0_i32_1 = arith.constant 0 : i32
    return %c0_i32, %arg0, %c0_i32_0 : i32, i32, i32
  }
  func.func @transform_1(%arg0: i32) -> (i32, i32) {
    %c0_i32 = arith.constant 0 : i32
    %c0_i32_0 = arith.constant 0 : i32
    return %arg0, %c0_i32 : i32, i32
  }
  func.func @transform_2(%arg0: i32) -> (i32, i32) {
    %c0_i32 = arith.constant 0 : i32
    %c0_i32_0 = arith.constant 0 : i32
    return %arg0, %c0_i32 : i32, i32
  }
  func.func @transform_3(%arg0: i32) -> (i32, i32) {
    %c0_i32 = arith.constant 0 : i32
    %c0_i32_0 = arith.constant 0 : i32
    %c0_i32_1 = arith.constant 0 : i32
    return %c0_i32, %c0_i32_0 : i32, i32
  }
  func.func @transform_4(%arg0: i32) -> (i32, i32) {
    %c0_i32 = arith.constant 0 : i32
    %c0_i32_0 = arith.constant 0 : i32
    return %arg0, %c0_i32 : i32, i32
  }
}

module attributes {stable_mosaic.version = 14 : i64} {
  func.func @_tcb_body(%arg0: i32, %arg1: memref<2x512x128xf32, #tpu.memory_space<vmem>>, %arg2: memref<512x128xf32, #tpu.memory_space<vmem>>, %arg3: memref<512x1xf32, #tpu.memory_space<vmem>>, %arg4: memref<1x256xf32, #tpu.memory_space<vmem>>, %arg5: memref<128x256xf32, #tpu.memory_space<vmem>>, %arg6: memref<256x128xf32, #tpu.memory_space<vmem>>, %arg7: memref<512x128xf32, #tpu.memory_space<vmem>>) attributes {dimension_semantics = [#tpu.dimension_semantics<arbitrary>], iteration_bounds = array<i64: 20>, scalar_prefetch = 0 : i64, scratch_operands = 0 : i64, tpu.core_type = #tpu.core_type<tc>, window_params = [{transform_indices = @transform_0, window_bounds = array<i64: 2, 512, 128>}, {transform_indices = @transform_1, window_bounds = array<i64: 512, 128>}, {transform_indices = @transform_2, window_bounds = array<i64: 512, 1>}, {pipeline_mode = #tpu.pipeline_mode<synchronous>, transform_indices = @transform_3, window_bounds = array<i64: 1, 256>}, {pipeline_mode = #tpu.pipeline_mode<synchronous>, transform_indices = @transform_4, window_bounds = array<i64: 128, 256>}, {pipeline_mode = #tpu.pipeline_mode<synchronous>, transform_indices = @transform_5, window_bounds = array<i64: 256, 128>}, {transform_indices = @transform_6, window_bounds = array<i64: 512, 128>}]} {
    %get3A = arith.constant 0 : index
    %get3A_0 = arith.constant 0 : index
    %get3A_1 = vector.load %arg3[%get3A, %get3A_0] : memref<512x1xf32, #tpu.memory_space<vmem>>, vector<512x1xf32>
    %get3A_2 = arith.constant 0 : index
    %get3A_3 = arith.constant 0 : index
    %get3A_4 = arith.constant 0 : index
    %get3A_5 = vector.load %arg1[%get3A_2, %get3A_3, %get3A_4] : memref<2x512x128xf32, #tpu.memory_space<vmem>>, vector<1x512x128xf32>
    %get3A_6 = vector.shape_cast %get3A_5 : vector<1x512x128xf32> to vector<512x128xf32>
    %get3A_7 = arith.constant 1 : index
    %get3A_8 = arith.constant 0 : index
    %get3A_9 = arith.constant 0 : index
    %get3A_10 = vector.load %arg1[%get3A_7, %get3A_8, %get3A_9] : memref<2x512x128xf32, #tpu.memory_space<vmem>>, vector<1x512x128xf32>
    %get3A_11 = vector.shape_cast %get3A_10 : vector<1x512x128xf32> to vector<512x128xf32>
    %add3A = arith.addf %get3A_6, %get3A_11 : vector<512x128xf32>
    %get3A_12 = arith.constant 0 : index
    %get3A_13 = arith.constant 0 : index
    %get3A_14 = vector.load %arg2[%get3A_12, %get3A_13] : memref<512x128xf32, #tpu.memory_space<vmem>>, vector<512x128xf32>
    %add3A_15 = arith.addf %add3A, %get3A_14 : vector<512x128xf32>
    %get3A_16 = arith.constant 0 : index
    %get3A_17 = arith.constant 0 : index
    %get3A_18 = vector.load %arg5[%get3A_16, %get3A_17] : memref<128x256xf32, #tpu.memory_space<vmem>>, vector<128x256xf32>
    %dot_general3A = arith.constant dense<0.000000e+00> : vector<512x256xf32>
    %dot_general3A_19 = tpu.matmul %add3A_15, %get3A_18, %dot_general3A {dimension_numbers = #tpu.dot_dimension_numbers<[1], [0], [0], [1], [0, 0, 1, 1], [], []>, transpose_lhs_hint = false} : vector<512x128xf32>, vector<128x256xf32>, vector<512x256xf32> -> vector<512x256xf32>
    %mul3A = vector.broadcast %get3A_1 : vector<512x1xf32> to vector<512x256xf32>
    %mul3A_20 = arith.mulf %mul3A, %dot_general3A_19 : vector<512x256xf32>
    %get3A_21 = arith.constant 0 : index
    %get3A_22 = arith.constant 0 : index
    %get3A_23 = vector.load %arg4[%get3A_21, %get3A_22] : memref<1x256xf32, #tpu.memory_space<vmem>>, vector<1x256xf32>
    %add3A_24 = vector.broadcast %get3A_23 : vector<1x256xf32> to vector<512x256xf32>
    %add3A_25 = arith.addf %mul3A_20, %add3A_24 : vector<512x256xf32>
    %max3A = arith.constant 0.000000e+00 : f32
    %max3A_26 = vector.broadcast %max3A : f32 to vector<512x256xf32>
    %max3A_27 = arith.maximumf %add3A_25, %max3A_26 : vector<512x256xf32>
    %get3A_28 = arith.constant 0 : index
    %get3A_29 = arith.constant 0 : index
    %get3A_30 = vector.load %arg6[%get3A_28, %get3A_29] : memref<256x128xf32, #tpu.memory_space<vmem>>, vector<256x128xf32>
    %dot_general3A_31 = arith.constant dense<0.000000e+00> : vector<512x128xf32>
    %dot_general3A_32 = tpu.matmul %max3A_27, %get3A_30, %dot_general3A_31 {dimension_numbers = #tpu.dot_dimension_numbers<[1], [0], [0], [1], [0, 0, 1, 1], [], []>, transpose_lhs_hint = false} : vector<512x256xf32>, vector<256x128xf32>, vector<512x128xf32> -> vector<512x128xf32>
    %mul3A_33 = vector.broadcast %get3A_1 : vector<512x1xf32> to vector<512x128xf32>
    %mul3A_34 = arith.mulf %mul3A_33, %dot_general3A_32 : vector<512x128xf32>
    %swap3A = arith.constant 0 : index
    %swap3A_35 = arith.constant 0 : index
    %swap3A_36 = vector.load %arg7[%swap3A, %swap3A_35] : memref<512x128xf32, #tpu.memory_space<vmem>>, vector<512x128xf32>
    tpu.vector_store %arg7[%swap3A, %swap3A_35], %mul3A_34 {strides = array<i32>} : memref<512x128xf32, #tpu.memory_space<vmem>>, vector<512x128xf32>,
    return
  }
  func.func @transform_0(%arg0: i32) -> (i32, i32, i32) {
    %c0_i32 = arith.constant 0 : i32
    %c0_i32_0 = arith.constant 0 : i32
    %c0_i32_1 = arith.constant 0 : i32
    return %c0_i32, %arg0, %c0_i32_0 : i32, i32, i32
  }
  func.func @transform_1(%arg0: i32) -> (i32, i32) {
    %c0_i32 = arith.constant 0 : i32
    %c0_i32_0 = arith.constant 0 : i32
    return %arg0, %c0_i32 : i32, i32
  }
  func.func @transform_2(%arg0: i32) -> (i32, i32) {
    %c0_i32 = arith.constant 0 : i32
    %c0_i32_0 = arith.constant 0 : i32
    return %arg0, %c0_i32 : i32, i32
  }
  func.func @transform_3(%arg0: i32) -> (i32, i32) {
    %c0_i32 = arith.constant 0 : i32
    %c0_i32_0 = arith.constant 0 : i32
    %c0_i32_1 = arith.constant 0 : i32
    return %c0_i32, %c0_i32_0 : i32, i32
  }
  func.func @transform_4(%arg0: i32) -> (i32, i32) {
    %c0_i32 = arith.constant 0 : i32
    %c0_i32_0 = arith.constant 0 : i32
    %c0_i32_1 = arith.constant 0 : i32
    return %c0_i32, %c0_i32_0 : i32, i32
  }
  func.func @transform_5(%arg0: i32) -> (i32, i32) {
    %c0_i32 = arith.constant 0 : i32
    %c0_i32_0 = arith.constant 0 : i32
    %c0_i32_1 = arith.constant 0 : i32
    return %c0_i32, %c0_i32_0 : i32, i32
  }
  func.func @transform_6(%arg0: i32) -> (i32, i32) {
    %c0_i32 = arith.constant 0 : i32
    %c0_i32_0 = arith.constant 0 : i32
    return %arg0, %c0_i32 : i32, i32
  }
}

</mosaic_0001>

<sc_bundles>
// kernel: kernel.11.cloned.1.call-start
scs
__scs_entry_jumppad:
0x0: {  	(pc) =	sbr.rel $0x88, $3  }
0x1: {  	(tag) =	ssettag $0x0;
	lr =	simm.s32 $0x1  }
0x2: {  	[smem:$0x3F9B] =	sst lr;
	_ =	strace $0xD0000000  }
0x3: {  	_ = 	snop  }
0x4: {  	_ = 	snop  }
0x5: {  	_ = 	snop  }
0x6: {  	_ = 	snop  }
0x7: {  	_ = 	snop  }
__scs_overlays_trampoline_lowered:
0x8: {  	[smem:$0x3FAA] =	sst s0  }
0x9: {  	[smem:$0x3FAB] =	sst s1  }
0xa: {  	[smem:$0x3FAC] =	sst s2  }
0xb: {  	[smem:$0x3FAD] =	sst s3  }
0xc: {  	[smem:$0x3FAE] =	sst s4  }
0xd: {  	[smem:$0x3FAF] =	sst s5  }
0xe: {  	[smem:$0x3FB0] =	sst s6  }
0xf: {  	[smem:$0x3FB1] =	sst s7  }
0x10: {  	[smem:$0x3FB2] =	sst s8  }
0x11: {  	[smem:$0x3FB3] =	sst s9;
	s0 =	simm.s32 @!p0 $0x0  }
0x12: {  	s1 =	sld [smem:$0x3F99];
	s0 =	simm.s32 @p0 $0x1  }
0x13: {  	[smem:$0x3FB4] =	sst s0;
	s0 =	simm.s32 @!p1 $0x0  }
0x14: {  	s2 =	sld [smem:$0x3F98];
	s0 =	simm.s32 @p1 $0x1  }
0x15: {  	[smem:$0x3FB5] =	sst s0;
	s0 =	simm.s32 @!p2 $0x0  }
0x16: {  	s3 =	sld [smem:$0x3FDB];
	s0 =	simm.s32 @p2 $0x1  }
0x17: {  	s4 =	simm.s32 $0x1BF5;
	[smem:$0x3FB7] =	sst s0  }
0x18: {  	s0 =	sld [smem:$0x3F9A];
	_ =	swait.ge [sflag:s4], $0x0  }
0x19: {  	s7 =	sld [smem:$0x3F9B]  }
0x1a: {  	s8 =	sadd.s32 $0xFFFFE003, lr  }
0x1b: {  	s9 =	sadd.s32 $0xFFFFFEF7, lr;
	s5 =	simm.s32 $0xFFFFFFFF;
	p2 =	slt.u32 s8, $0xFFFFF086  }
0x1c: {  	p1 =	slt.u32 s9, $0xF7A;
	s5 =	simm.s32 @!p2 $0x0  }
0x1d: {  	s5 =	simm.s32 @p1 $0x1;
	p0 =	seq.s32 s7, s2  }
0x1e: {  	s7 =	smul.u32 @!p0 $0xF7A, s2;
	p2 =	seq.s32 @!p0 s5, $0x0  }
0x1f: {  	s9 =	smul.u32 $0xF7A, s1;
	s8 =	simm.s32 @!p0 $0x1BF5;
	p2 =	por !p2, p0  }
0x20: {  	[sflag:s8] =	ssyncset.s32 @!p0 $0xFFFFF086;
	s6 =	sadd.s32 @!p0 s3, s7;
	s7 =	simm.s32 @!p0 $0x108  }
0x21: {  	s3 =	sadd.s32 s3, s9;
	s6 =	sadd.s32 @!p0 $0x88, s6;
	s7 =	simm.s32 @p2 $0x1082  }
0x22: {  	[simem:s7], [sflag:s8] =	dma.local @!p0 [hbm:s6], $0xF7A  }
0x23: {  	s9 =	sor.u32 $0xD0000000, s2;
	s6 =	simm.s32 $0x108;
	_ =	swait.ge @!p0 [sflag:s8], $0x0  }
0x24: {  	s3 =	sadd.s32 $0x88, s3;
	s6 =	simm.s32 @!p1 $0x1082;
	[sflag:s4] =	ssyncset.s32 $0xFFFFF086  }
0x25: {  	[simem:s6], [sflag:s4] =	dma.local [hbm:s3], $0xF7A  }
0x26: {  	[smem:$0x3F9B] =	sst s1;
	(tag) =	ssettag s2;
	_ =	strace s9  }
0x27: {  	s1 =	sld [smem:$0x3FAB]  }
0x28: {  	s2 =	sld [smem:$0x3FAC]  }
0x29: {  	s4 =	sld [smem:$0x3FAE]  }
0x2a: {  	p0 =	seq.s32 s5, $0x0;
	s5 =	sld [smem:$0x3FAF]  }
0x2b: {  	s6 =	sld [smem:$0x3FB0]  }
0x2c: {  	s7 =	sld [smem:$0x3FB1]  }
0x2d: {  	s3 =	simm.s32 $0x108;
	s8 =	sld [smem:$0x3FB2]  }
0x2e: {  	s3 =	simm.s32 @!p0 $0x1082;
	s9 =	sld [smem:$0x3FB3]  }
0x2f: {  	lr =	sadd.s32 s0, s3;
	s0 =	sld [smem:$0x3FAA]  }
0x30: {  	s3 =	sld [smem:$0x3FAD]  }
0x31: {  	[smem:$0x3FB6] =	sst s10  }
0x32: {  	s10 =	sld [smem:$0x3FB4];
	_ =	sdelay $0x3  }
0x33: {  	p0 =	seq.s32 s10, $0x1;
	s10 =	sld [smem:$0x3FB6];
	_ =	sdelay $0x3  }
0x34: {  	[smem:$0x3FB6] =	sst s10  }
0x35: {  	s10 =	sld [smem:$0x3FB5];
	_ =	sdelay $0x3  }
0x36: {  	p1 =	seq.s32 s10, $0x1;
	s10 =	sld [smem:$0x3FB6];
	_ =	sdelay $0x3  }
0x37: {  	[smem:$0x3FB6] =	sst s10  }
0x38: {  	s10 =	sld [smem:$0x3FB7]  }
0x39: {  	_ = 	snop;
	(pc) =	sbr.ind lr, $3  }
0x3a: {  	_ = 	snop  }
0x3b: {  	_ = 	snop  }
0x3c: {  	p2 =	seq.s32 s10, $0x1;
	s10 =	sld [smem:$0x3FB6]  }
0x3d: {  	_ =	shalt  }
0x3e: {  	_ =	shalt  }
0x3f: {  	_ =	shalt  }
0x40: {  	_ =	shalt  }
0x41: {  	_ =	shalt  }
0x42: {  	_ =	shalt  }
0x43: {  	_ =	shalt  }
0x44: {  	_ =	shalt  }
0x45: {  	_ =	shalt  }
0x46: {  	_ =	shalt  }
0x47: {  	_ =	shalt  }
0x48: {  	_ =	shalt  }
0x49: {  	_ =	shalt  }
0x4a: {  	_ =	shalt  }
0x4b: {  	_ =	shalt  }
0x4c: {  	_ =	shalt  }
0x4d: {  	_ =	shalt  }
0x4e: {  	_ =	shalt  }
0x4f: {  	_ =	shalt  }
0x50: {  	_ =	shalt  }
0x51: {  	_ =	shalt  }
0x52: {  	_ =	shalt  }
0x53: {  	_ =	shalt  }
0x54: {  	_ =	shalt  }
0x55: {  	_ =	shalt  }
0x56: {  	_ =	shalt  }
0x57: {  	_ =	shalt  }
0x58: {  	_ =	shalt  }
0x59: {  	_ =	shalt  }
0x5a: {  	_ =	shalt  }
0x5b: {  	_ =	shalt  }
0x5c: {  	_ =	shalt  }
0x5d: {  	_ =	shalt  }
0x5e: {  	_ =	shalt  }
0x5f: {  	_ =	shalt  }
0x60: {  	_ =	shalt  }
0x61: {  	_ =	shalt  }
0x62: {  	_ =	shalt  }
0x63: {  	_ =	shalt  }
0x64: {  	_ =	shalt  }
0x65: {  	_ =	shalt  }
0x66: {  	_ =	shalt  }
0x67: {  	_ =	shalt  }
0x68: {  	_ =	shalt  }
0x69: {  	_ =	shalt  }
0x6a: {  	_ =	shalt  }
0x6b: {  	_ =	shalt  }
0x6c: {  	_ =	shalt  }
0x6d: {  	_ =	shalt  }
0x6e: {  	_ =	shalt  }
0x6f: {  	_ =	shalt  }
0x70: {  	_ =	shalt  }
0x71: {  	_ =	shalt  }
0x72: {  	_ =	shalt  }
0x73: {  	_ =	shalt  }
0x74: {  	_ =	shalt  }
0x75: {  	_ =	shalt  }
0x76: {  	_ =	shalt  }
0x77: {  	_ =	shalt  }
0x78: {  	_ =	shalt  }
0x79: {  	_ =	shalt  }
0x7a: {  	_ =	shalt  }
0x7b: {  	_ =	shalt  }
0x7c: {  	_ =	shalt  }
0x7d: {  	_ =	shalt  }
0x7e: {  	_ =	shalt  }
0x7f: {  	_ =	shalt  }
0x80: {  	_ =	shalt  }
0x81: {  	_ =	shalt  }
0x82: {  	_ =	shalt  }
0x83: {  	_ =	shalt  }
0x84: {  	_ =	shalt  }
0x85: {  	_ =	shalt  }
0x86: {  	_ =	shalt  }
0x87: {  	_ =	shalt  }
.Lfunc_end0:
.L_simem_size_0:
called_computation.1_lowered:
.L_overlay_start_0:
0x88: {  	s2 =	sld [smem:$0x3FD9]  }
0x89: {  	s3 =	sld [smem:$0x3FFE];
	_ =	sdelay $0x1  }
0x8a: {  	s1 =	srdreg.scid  }
0x8b: {  	s0 =	sand.u32 $0x1, s1  }
0x8c: {  	s17 =	sshll.u32 s0, $0xA;
	s2 =	sadd.s32 s3, s2  }
0x8d: {  	s2 =	sadd.s32 s2, s17  }
0x8e: {  	[smem:$0x3FC2] =	sst s2  }
0x8f: {  	_ = 	snop  }
0x90: {  	s2 =	sld [smem:$0x3FD0];
	(tm) =	ssettm $0x1  }
0x91: {  	s18 =	sld [smem:$0x3FFB];
	_ =	sdelay $0x3  }
0x92: {  	_ =	strace s18  }
0x93: {  	s3 =	sld [smem:$0x3FFC];
	_ =	sdelay $0x3  }
0x94: {  	_ =	strace s3  }
0x95: {  	s3 =	sld [smem:$0x3FFD];
	_ =	sdelay $0x3  }
0x96: {  	_ =	strace s3  }
0x97: {  	_ =	strace $0x8FFFFFFF  }
0x98: {  	s19 =	sld [smem:$0x3FDB];
	_ =	sdelay $0x1  }
0x99: {  	s4 =	simm.s32 $_scs_section_size  }
0x9a: {  	s5 =	simm.s32 $_size__tile_overlayer_lowered;
	s6 =	simm.s32 $_tile_overlayer_lowered  }
0x9b: {  	s22 =	simm.s32 $0x1BFF;
	s21 =	sshll.u32 s6, $0x1;
	s3 =	sadd.s32 s4, s19  }
0x9c: {  	s7 =	simm.s32 $0x0;
	s20 =	sshll.u32 s5, $0x1;
	s5 =	sadd.s32 s21, s3  }
0x9d: {  	[timem:s7], [sflag:s22] =	dma.local [hbm:s5], s20  }
0x9e: {  	_ =	swait.ge [sflag:s22], s20  }
0x9f: {  	s4 =	ssub.s32 $0x0, s20;
	[sflag:s22] =	ssyncset.done $0x0  }
0xa0: {  	[sflag:s22] =	ssyncadd.s32 s4;
	_ =	sdelay $0x1  }
0xa1: {  	s23 =	simm.s32 $0x1B8B  }
0xa2: {  	_ =	swait.ge [sflag:s23], $0x1  }
0xa3: {  	[sflag:s23] =	ssyncset.done $0x0  }
0xa4: {  	s25 =	simm.s32 $0x1B8E;
	s24 =	sld [smem:$0x3FFE];
	[sflag:s23] =	ssyncadd.s32 $0xFFFFFFFF  }
0xa5: {  	s26 =	simm.s32 $execute0_lowered;
	[smem:$0x3FD2] =	sst s25  }
0xa6: {  	s5 =	sshll.u32 s26, $0x1;
	_ =	strace $0x80000049;
	[dreg:$0x1] =	wrdreg $0xFFFFFFFF  }
0xa7: {  	s28 =	simm.s32 $_size_execute0_lowered;
	s3 =	sadd.s32 s3, s5;
	[dreg:$0x0] =	wrdreg $0x0  }
0xa8: {  	s5 =	sshll.u32 s28, $0x1;
	[dreg:$0x2] =	wrdreg s3  }
0xa9: {  	[dreg:$0x3] =	wrdreg s5  }
0xaa: {  	[dreg:$0x4] =	wrdreg $0xC0  }
0xab: {  	_ =	task [dreg:s7], $0x5FFFF  }
0xac: {  	[dreg:$0x1] =	wrdreg $0xFFFFFFFF  }
0xad: {  	[dreg:$0x0] =	wrdreg $0x60  }
0xae: {  	[dreg:$0x2] =	wrdreg s24  }
0xaf: {  	[dreg:$0x3] =	wrdreg s2  }
0xb0: {  	[dreg:$0x4] =	wrdreg $0xA8000  }
0xb1: {  	[dreg:$0x5] =	wrdreg $0x9  }
0xb2: {  	_ =	task.clear_ibuf [dreg:s7], $0x6FFFF;
	_ =	strace $0x90000049  }
0xb3: {  	s29 =	simm.s32 $0x9;
	_ =	strace $0x8000004B  }
0xb4: {  	_ =	swait.ge [sflag:s29], $0x1  }
0xb5: {  	[sflag:s29] =	ssyncadd.s32 $0xFFFFFFFF  }
0xb6: {  	_ =	strace $0x9000004B  }
0xb7: {  	_ =	sfence  }
0xb8: {  	s30 =	sld [smem:$0x0];
	_ =	sdelay $0x2  }
0xb9: {  	s31 =	sshll.u32 s1, $0xD;
	s1 =	sshrl.u32 s1, $0x2  }
0xba: {  	s3 =	sand.u32 $0x4000, s31;
	s1 =	sadd.s32 s1, s30  }
0xbb: {  	s0 =	sor.u32 s3, s0;
	s1 =	sshll.u32 s1, $0x11  }
0xbc: {  	s0 =	sor.u32 s1, s0  }
0xbd: {  	s0 =	sadd.s32 $0x8F2B, s0  }
0xbe: {  	[sflag:s0] =	ssyncadd.remote.s32 $0x1  }
0xbf: {  	_ =	sfence.sel $0xFFFF  }
0xc0: {  	[dreg:$0x0] =	wrdreg $0xFFFFFFFF;
	(pc) =	sbr.abs _section_cstart, $3  }
0xc1: {  	[dreg:$0x1] =	wrdreg $0xFFFFFFFF  }
0xc2: {  	_ =	task.clear_ibuf [dreg:s7], $0x2FFFF;
	_ =	strace $0x9FFFFFFF  }
0xc3: {  	(tm) =	ssettm $0x7FFFFFFF  }
tec
execute0_lowered:
.L_overlay_start_1:
0x0: {  	(tag) =	ssettag $0x1  }
0x1: {  	s5 =	rddreg [dreg:$0x0]  }
0x2: {  	s14 =	rddreg [dreg:$0x1]  }
0x3: {  	s1 =	rddreg [dreg:$0x2]  }
0x4: {  	s2 =	srdreg.scid;
	s0 =	rddreg [dreg:$0x3];
	s3 =	simm.s32 $0x0  }
0x5: {  	s17 =	simm.s32 $0x5;
	s18 =	simm.s32 $0x1400;
	s19 =	simm.s32 $0x80  }
0x6: {  	s20 =	simm.s32 $0x6800;
	s21 =	simm.s32 $0x1;
	s22 =	simm.s32 $0x2  }
0x7: {  	s23 =	simm.s32 $0x3;
	s6 =	sand.u32 $0x1, s2;
	s2 =	stileid.u32  }
0x8: {  	s24 =	simm.s32 $0x4;
	[smem:$0x7FF] =	sst s3;
	s7 =	smul.u32 $0x28000, s6  }
0x9: {  	s4 =	sadd.s32 $0xC800, s5;
	s15 =	sadd.s32 $0x2800, s5;
	s8 =	smul.u32 $0x2800, s2  }
0xa: {  	s30 =	smul.u32 $0x50000, s2;
	s31 =	ssub.s32 $0x2, s6;
	s6 =	sshll.u32 s6, $0x4  }
0xb: {  	_ =	strace $0x8000004A;
	s9 =	sshrl.u32 s31, $0x1;
	s10 =	sor.u32 s2, s6  }
0xc: {  	s7 =	sadd.s32 s8, s7;
	s8 =	sshrl.u32 s30, $0x2;
	s9 =	ssub.s32 s31, s9  }
0xd: {  	s13 =	smul.u32 $0x500, s10;
	s7 =	sadd.s32 s7, s5;
	s5 =	sadd.s32 s8, s1  }
0xe: {  	s6 =	sadd.s32 $0x34800, s7;
	s7 =	smax.u32 s9, $0x1;
	s8 =	sadd.s32 $0x4000, s5  }
0xf: {  	s9 =	sadd.s32 $0x8000, s5;
	s10 =	sadd.s32 $0xC000, s5;
	s11 =	sadd.s32 $0x10000, s5  }
0x10: {  	s12 =	sadd.s32 s14, s13;
	s16 =	sadd.s32 $0x280, s13;
	s13 =	sadd.s32 s15, s13  }
0x11: {  	v0 =	vimm.f32 $0.0e+00;
	s14 =	sadd.s32 s14, s16;
	s15 =	sadd.s32 s15, s16;
	s16 =	simm.s32 $0x2800  }
.LBB2_1:
0x12: {  	s25 =	simm.s32 $0x0;
	s26 =	simm.s32 $0x200  }
.LBB2_2:
0x13: {  	p0 =	sne.s32 s26, $0xFE00;
	[tilespmem:s25+$0x2870] =	vst v0  }
0x14: {  	[tilespmem:s25+$0x2800] =	vst v0  }
0x15: {  	[tilespmem:s25+$0x2810] =	vst v0  }
.Ltmp0:
0x16: {  	[tilespmem:s25+$0x2820] =	vst v0;
	(pc) =	sbr.rel @p0 .LBB2_2-.Ltmp0, $4  }
0x17: {  	[tilespmem:s25+$0x2830] =	vst v0  }
0x18: {  	[tilespmem:s25+$0x2840] =	vst v0  }
0x19: {  	[tilespmem:s25+$0x2850] =	vst v0  }
0x1a: {  	[tilespmem:s25+$0x2860] =	vst v0;
	s25 =	sshra.s32 s26, $0x2;
	s26 =	sadd.s32 $0x200, s26  }
0x1b: {  	[tilespmem:s25+$0x2870] =	vst v0  }
0x1c: {  	[tilespmem:s25+$0x2800] =	vst v0  }
0x1d: {  	[tilespmem:s25+$0x2810] =	vst v0  }
0x1e: {  	[tilespmem:s25+$0x2820] =	vst v0  }
0x1f: {  	[tilespmem:s25+$0x2830] =	vst v0  }
0x20: {  	[tilespmem:s25+$0x2840] =	vst v0  }
0x21: {  	[tilespmem:s25+$0x2850] =	vst v0  }
0x22: {  	[tilespmem:s25+$0x2860] =	vst v0  }
0x23: {  	[spmem:s5] =	stream.linear.scatter [tilespmem:s16], [sflag:$0x5], $0x4000, $0x38;
	[tilespmem:$0x1E800] =	vst v63  }
0x24: {  	_ =	swait.ge [sflag:s17], $0x4000  }
0x25: {  	[sflag:s17] =	ssyncset.done $0x0  }
0x26: {  	[sflag:s17] =	ssyncadd.s32 $0xFFFFC000  }
0x27: {  	[spmem:s8] =	stream.linear.scatter [tilespmem:s16], [sflag:$0x5], $0x4000, $0x38;
	[tilespmem:$0x1E800] =	vst v63  }
0x28: {  	_ =	swait.ge [sflag:s17], $0x4000  }
0x29: {  	[sflag:s17] =	ssyncset.done $0x0  }
0x2a: {  	[sflag:s17] =	ssyncadd.s32 $0xFFFFC000  }
0x2b: {  	[spmem:s9] =	stream.linear.scatter [tilespmem:s16], [sflag:$0x5], $0x4000, $0x38;
	[tilespmem:$0x1E800] =	vst v63  }
0x2c: {  	_ =	swait.ge [sflag:s17], $0x4000  }
0x2d: {  	[sflag:s17] =	ssyncset.done $0x0  }
0x2e: {  	[sflag:s17] =	ssyncadd.s32 $0xFFFFC000  }
0x2f: {  	[spmem:s10] =	stream.linear.scatter [tilespmem:s16], [sflag:$0x5], $0x4000, $0x38;
	[tilespmem:$0x1E800] =	vst v63  }
0x30: {  	_ =	swait.ge [sflag:s17], $0x4000  }
0x31: {  	[sflag:s17] =	ssyncset.done $0x0  }
0x32: {  	[sflag:s17] =	ssyncadd.s32 $0xFFFFC000  }
0x33: {  	[spmem:s11] =	stream.linear.scatter [tilespmem:s16], [sflag:$0x5], $0x4000, $0x38;
	[tilespmem:$0x1E800] =	vst v63  }
0x34: {  	_ =	swait.ge [sflag:s17], $0x4000  }
0x35: {  	[sflag:s17] =	ssyncset.done $0x0  }
0x36: {  	[sflag:s17] =	ssyncadd.s32 $0xFFFFC000  }
0x37: {  	s26 =	simm.s32 $0x0;
	[bflag:$0x0] =	sbarrier.arrive $0xFFFF  }
0x38: {  	[tilespmem:s26], [sflag:$0x5] =	stream.linear.gather [hbm4b:s12+s26], $0x1400, $0x38;
	[tilespmem:$0x1E800] =	vst v63  }
0x39: {  	_ =	swait.ge [sflag:s17], $0x1400  }
0x3a: {  	[sflag:s17] =	ssyncset.done $0x0  }
0x3b: {  	[sflag:s17] =	ssyncadd.s32 $0xFFFFEC00  }
0x3c: {  	[tilespmem:s18], [sflag:$0x5] =	stream.linear.gather [hbm4b:s13+s26], $0x1400, $0x38;
	[tilespmem:$0x1E800] =	vst v63  }
0x3d: {  	_ =	swait.ge [sflag:s17], $0x1400  }
0x3e: {  	[sflag:s17] =	ssyncset.done $0x0  }
0x3f: {  	s28 =	simm.s32 $0x0;
	[sflag:s17] =	ssyncadd.s32 $0xFFFFEC00  }
0x40: {  	[tilespmem:s16], [sflag:$0x1] =	stream.indirect.gather [hbm4b:s4+s19], $0x80, s28, s19, $0xb8;
	[tilespmem:$0x1E800] =	vst v63  }
0x41: {  	s29 =	simm.s32 $0x80  }
0x42: {  	[tilespmem:s20], [sflag:$0x2] =	stream.indirect.gather [hbm4b:s4+s19], $0x80, s29, s19, $0xb8;
	[tilespmem:$0x1E800] =	vst v63  }
0x43: {  	_ =	swait.ge [sflag:s21], $0x4000  }
0x44: {  	[sflag:s21] =	ssyncset.done $0x0  }
0x45: {  	s30 =	simm.s32 $0x1400;
	[sflag:s21] =	ssyncadd.s32 $0xFFFFC000  }
0x46: {  	[spmem:s1] =	stream.indirect.scatter.add.f32 [tilespmem:s16], [sflag:$0x3], $0x80, s30, s19, $0xb8;
	[tilespmem:$0x1E800] =	vst v63  }
0x47: {  	_ =	swait.ge [sflag:s22], $0x4000  }
0x48: {  	[sflag:s22] =	ssyncset.done $0x0  }
0x49: {  	s31 =	simm.s32 $0x1480;
	[sflag:s22] =	ssyncadd.s32 $0xFFFFC000  }
0x4a: {  	[spmem:s1] =	stream.indirect.scatter.add.f32 [tilespmem:s20], [sflag:$0x4], $0x80, s31, s19, $0xb8;
	[tilespmem:$0x1E800] =	vst v63  }
0x4b: {  	_ =	swait.ge [sflag:s23], $0x4000  }
0x4c: {  	[sflag:s23] =	ssyncset.done $0x0  }
0x4d: {  	[sflag:s23] =	ssyncadd.s32 $0xFFFFC000  }
0x4e: {  	_ =	swait.ge [sflag:s24], $0x4000  }
0x4f: {  	s25 =	simm.s32 $0x400;
	s26 =	simm.s32 $0x800;
	[sflag:s24] =	ssyncset.done $0x0  }
.LBB2_4:
0x50: {  	s28 =	sshra.s32 s25, $0x2  }
0x51: {  	[sflag:s24] =	ssyncadd.s32 $0xFFFFC000;
	s25 =	smov.u32 s26;
	s29 =	sadd.s32 $0x400, s26  }
0x52: {  	[tilespmem:s16], [sflag:$0x1] =	stream.indirect.gather [hbm4b:s4+s19], $0x80, s28, s19, $0xb8;
	[tilespmem:$0x1E800] =	vst v63  }
0x53: {  	p0 =	sne.s32 s26, $0x4C00;
	s26 =	sadd.s32 $0x80, s28  }
0x54: {  	[tilespmem:s20], [sflag:$0x2] =	stream.indirect.gather [hbm4b:s4+s19], $0x80, s26, s19, $0xb8;
	[tilespmem:$0x1E800] =	vst v63  }
0x55: {  	_ =	swait.ge [sflag:s21], $0x4000  }
0x56: {  	[sflag:s21] =	ssyncset.done $0x0  }
0x57: {  	s26 =	sadd.s32 $0x1400, s28;
	[sflag:s21] =	ssyncadd.s32 $0xFFFFC000  }
0x58: {  	[spmem:s1] =	stream.indirect.scatter.add.f32 [tilespmem:s16], [sflag:$0x3], $0x80, s26, s19, $0xb8;
	[tilespmem:$0x1E800] =	vst v63  }
0x59: {  	_ =	swait.ge [sflag:s22], $0x4000  }
0x5a: {  	[sflag:s22] =	ssyncset.done $0x0  }
0x5b: {  	s26 =	sadd.s32 $0x1480, s28;
	[sflag:s22] =	ssyncadd.s32 $0xFFFFC000  }
0x5c: {  	[spmem:s1] =	stream.indirect.scatter.add.f32 [tilespmem:s20], [sflag:$0x4], $0x80, s26, s19, $0xb8;
	[tilespmem:$0x1E800] =	vst v63  }
.Ltmp1:
0x5d: {  	_ =	swait.ge [sflag:s23], $0x4000;
	(pc) =	sbr.rel @p0 .LBB2_4-.Ltmp1, $4  }
0x5e: {  	[sflag:s23] =	ssyncset.done $0x0  }
0x5f: {  	[sflag:s23] =	ssyncadd.s32 $0xFFFFC000  }
0x60: {  	_ =	swait.ge [sflag:s24], $0x4000  }
0x61: {  	s26 =	smov.u32 s29;
	[sflag:s24] =	ssyncset.done $0x0  }
0x62: {  	s25 =	sshra.s32 s25, $0x2;
	[sflag:s24] =	ssyncadd.s32 $0xFFFFC000  }
0x63: {  	[tilespmem:s16], [sflag:$0x1] =	stream.indirect.gather [hbm4b:s4+s19], $0x80, s25, s19, $0xb8;
	[tilespmem:$0x1E800] =	vst v63  }
0x64: {  	s26 =	sadd.s32 $0x80, s25  }
0x65: {  	[tilespmem:s20], [sflag:$0x2] =	stream.indirect.gather [hbm4b:s4+s19], $0x80, s26, s19, $0xb8;
	[tilespmem:$0x1E800] =	vst v63  }
0x66: {  	_ =	swait.ge [sflag:s21], $0x4000  }
0x67: {  	[sflag:s21] =	ssyncset.done $0x0  }
0x68: {  	s31 =	sadd.s32 $0x1400, s25;
	[sflag:s21] =	ssyncadd.s32 $0xFFFFC000  }
0x69: {  	[spmem:s1] =	stream.indirect.scatter.add.f32 [tilespmem:s16], [sflag:$0x3], $0x80, s31, s19, $0xb8;
	[tilespmem:$0x1E800] =	vst v63  }
0x6a: {  	_ =	swait.ge [sflag:s22], $0x4000  }
0x6b: {  	[sflag:s22] =	ssyncset.done $0x0  }
0x6c: {  	s25 =	sadd.s32 $0x1480, s25;
	[sflag:s22] =	ssyncadd.s32 $0xFFFFC000  }
0x6d: {  	[spmem:s1] =	stream.indirect.scatter.add.f32 [tilespmem:s20], [sflag:$0x4], $0x80, s25, s19, $0xb8;
	[tilespmem:$0x1E800] =	vst v63  }
0x6e: {  	_ =	swait.ge [sflag:s23], $0x4000  }
0x6f: {  	[sflag:s23] =	ssyncset.done $0x0  }
0x70: {  	[sflag:s23] =	ssyncadd.s32 $0xFFFFC000  }
0x71: {  	_ =	swait.ge [sflag:s24], $0x4000  }
0x72: {  	[sflag:s24] =	ssyncset.done $0x0  }
0x73: {  	s26 =	simm.s32 $0x0;
	[sflag:s24] =	ssyncadd.s32 $0xFFFFC000  }
0x74: {  	[tilespmem:s26], [sflag:$0x5] =	stream.linear.gather [hbm4b:s14+s26], $0x1400, $0x38;
	[tilespmem:$0x1E800] =	vst v63  }
0x75: {  	_ =	swait.ge [sflag:s17], $0x1400  }
0x76: {  	[sflag:s17] =	ssyncset.done $0x0  }
0x77: {  	[sflag:s17] =	ssyncadd.s32 $0xFFFFEC00  }
0x78: {  	[tilespmem:s18], [sflag:$0x5] =	stream.linear.gather [hbm4b:s15+s26], $0x1400, $0x38;
	[tilespmem:$0x1E800] =	vst v63  }
0x79: {  	_ =	swait.ge [sflag:s17], $0x1400  }
0x7a: {  	[sflag:s17] =	ssyncset.done $0x0  }
0x7b: {  	s28 =	simm.s32 $0x0;
	[sflag:s17] =	ssyncadd.s32 $0xFFFFEC00  }
0x7c: {  	[tilespmem:s16], [sflag:$0x1] =	stream.indirect.gather [hbm4b:s4+s19], $0x80, s28, s19, $0xb8;
	[tilespmem:$0x1E800] =	vst v63  }
0x7d: {  	s29 =	simm.s32 $0x80  }
0x7e: {  	[tilespmem:s20], [sflag:$0x2] =	stream.indirect.gather [hbm4b:s4+s19], $0x80, s29, s19, $0xb8;
	[tilespmem:$0x1E800] =	vst v63  }
0x7f: {  	_ =	swait.ge [sflag:s21], $0x4000  }
0x80: {  	[sflag:s21] =	ssyncset.done $0x0  }
0x81: {  	s30 =	simm.s32 $0x1400;
	[sflag:s21] =	ssyncadd.s32 $0xFFFFC000  }
0x82: {  	[spmem:s1] =	stream.indirect.scatter.add.f32 [tilespmem:s16], [sflag:$0x3], $0x80, s30, s19, $0xb8;
	[tilespmem:$0x1E800] =	vst v63  }
0x83: {  	_ =	swait.ge [sflag:s22], $0x4000  }
0x84: {  	[sflag:s22] =	ssyncset.done $0x0  }
0x85: {  	s31 =	simm.s32 $0x1480;
	[sflag:s22] =	ssyncadd.s32 $0xFFFFC000  }
0x86: {  	[spmem:s1] =	stream.indirect.scatter.add.f32 [tilespmem:s20], [sflag:$0x4], $0x80, s31, s19, $0xb8;
	[tilespmem:$0x1E800] =	vst v63  }
0x87: {  	_ =	swait.ge [sflag:s23], $0x4000  }
0x88: {  	[sflag:s23] =	ssyncset.done $0x0  }
0x89: {  	[sflag:s23] =	ssyncadd.s32 $0xFFFFC000  }
0x8a: {  	_ =	swait.ge [sflag:s24], $0x4000  }
0x8b: {  	s25 =	simm.s32 $0x400;
	s26 =	simm.s32 $0x800;
	[sflag:s24] =	ssyncset.done $0x0  }
.LBB2_6:
0x8c: {  	s28 =	sshra.s32 s25, $0x2  }
0x8d: {  	[sflag:s24] =	ssyncadd.s32 $0xFFFFC000;
	s25 =	smov.u32 s26;
	s29 =	sadd.s32 $0x400, s26  }
0x8e: {  	[tilespmem:s16], [sflag:$0x1] =	stream.indirect.gather [hbm4b:s4+s19], $0x80, s28, s19, $0xb8;
	[tilespmem:$0x1E800] =	vst v63  }
0x8f: {  	p0 =	sne.s32 s26, $0x4C00;
	s26 =	sadd.s32 $0x80, s28  }
0x90: {  	[tilespmem:s20], [sflag:$0x2] =	stream.indirect.gather [hbm4b:s4+s19], $0x80, s26, s19, $0xb8;
	[tilespmem:$0x1E800] =	vst v63  }
0x91: {  	_ =	swait.ge [sflag:s21], $0x4000  }
0x92: {  	[sflag:s21] =	ssyncset.done $0x0  }
0x93: {  	s26 =	sadd.s32 $0x1400, s28;
	[sflag:s21] =	ssyncadd.s32 $0xFFFFC000  }
0x94: {  	[spmem:s1] =	stream.indirect.scatter.add.f32 [tilespmem:s16], [sflag:$0x3], $0x80, s26, s19, $0xb8;
	[tilespmem:$0x1E800] =	vst v63  }
0x95: {  	_ =	swait.ge [sflag:s22], $0x4000  }
0x96: {  	[sflag:s22] =	ssyncset.done $0x0  }
0x97: {  	s26 =	sadd.s32 $0x1480, s28;
	[sflag:s22] =	ssyncadd.s32 $0xFFFFC000  }
0x98: {  	[spmem:s1] =	stream.indirect.scatter.add.f32 [tilespmem:s20], [sflag:$0x4], $0x80, s26, s19, $0xb8;
	[tilespmem:$0x1E800] =	vst v63  }
.Ltmp2:
0x99: {  	_ =	swait.ge [sflag:s23], $0x4000;
	(pc) =	sbr.rel @p0 .LBB2_6-.Ltmp2, $4  }
0x9a: {  	[sflag:s23] =	ssyncset.done $0x0  }
0x9b: {  	[sflag:s23] =	ssyncadd.s32 $0xFFFFC000  }
0x9c: {  	_ =	swait.ge [sflag:s24], $0x4000  }
0x9d: {  	s26 =	smov.u32 s29;
	[sflag:s24] =	ssyncset.done $0x0  }
0x9e: {  	s25 =	sshra.s32 s25, $0x2;
	[sflag:s24] =	ssyncadd.s32 $0xFFFFC000  }
0x9f: {  	[tilespmem:s16], [sflag:$0x1] =	stream.indirect.gather [hbm4b:s4+s19], $0x80, s25, s19, $0xb8;
	[tilespmem:$0x1E800] =	vst v63  }
0xa0: {  	s26 =	sadd.s32 $0x80, s25  }
0xa1: {  	[tilespmem:s20], [sflag:$0x2] =	stream.indirect.gather [hbm4b:s4+s19], $0x80, s26, s19, $0xb8;
	[tilespmem:$0x1E800] =	vst v63  }
0xa2: {  	_ =	swait.ge [sflag:s21], $0x4000  }
0xa3: {  	[sflag:s21] =	ssyncset.done $0x0  }
0xa4: {  	s29 =	sadd.s32 $0x1400, s25;
	[sflag:s21] =	ssyncadd.s32 $0xFFFFC000  }
0xa5: {  	[spmem:s1] =	stream.indirect.scatter.add.f32 [tilespmem:s16], [sflag:$0x3], $0x80, s29, s19, $0xb8;
	[tilespmem:$0x1E800] =	vst v63  }
0xa6: {  	_ =	swait.ge [sflag:s22], $0x4000  }
0xa7: {  	[sflag:s22] =	ssyncset.done $0x0  }
0xa8: {  	s25 =	sadd.s32 $0x1480, s25;
	[sflag:s22] =	ssyncadd.s32 $0xFFFFC000  }
0xa9: {  	[spmem:s1] =	stream.indirect.scatter.add.f32 [tilespmem:s20], [sflag:$0x4], $0x80, s25, s19, $0xb8;
	[tilespmem:$0x1E800] =	vst v63  }
0xaa: {  	_ =	swait.ge [sflag:s23], $0x4000  }
0xab: {  	[sflag:s23] =	ssyncset.done $0x0  }
0xac: {  	[sflag:s23] =	ssyncadd.s32 $0xFFFFC000  }
0xad: {  	_ =	swait.ge [sflag:s24], $0x4000  }
0xae: {  	s30 =	sshll.u32 s2, $0x6;
	s3 =	sadd.s32 $0x1, s3;
	[sflag:s24] =	ssyncset.done $0x0  }
0xaf: {  	s31 =	sshrl.u32 s5, $0x3;
	p0 =	sne.s32 s3, s7;
	[sflag:s24] =	ssyncadd.s32 $0xFFFFC000  }
.Ltmp3:
0xb0: {  	s25 =	sor.u32 $0x1C05, s30;
	[bflag:$0x0] =	sbarrier.arrive $0xFFFF;
	(pc) =	sbr.rel @p0 .LBB2_1-.Ltmp3, $4  }
0xb1: {  	[hbm:s6], [sflag:s25] =	dma.local [spmem:s31], $0x2800  }
0xb2: {  	_ =	swait.ge [sflag:s17], $0x2800  }
0xb3: {  	[sflag:s17] =	ssyncset.done $0x0  }
0xb4: {  	[sflag:s17] =	ssyncadd.s32 $0xFFFFD800  }
0xb5: {  	_ =	sfence.sel $0x180000  }
0xb6: {  	[bflag:$0x0] =	sbarrier.arrive $0xFFFF  }
0xb7: {  	p0 =	sne.s32 s2, $0x0;
	_ =	strace $0x9000004A  }
0xb8: {  	s0 =	sadd.s32 @!p0 $0x100000, s0;
	[bflag:$0x2] =	sbarrier.arrive $0xFFFF  }
0xb9: {  	[sflag:s0] =	ssyncadd.tile.s32 @!p0 $0x1;
	_ =	shalt  }
.Lfunc_end2:
_tile_overlayer_lowered:
.L_overlay_start_2:
0xba: {  	(tag) =	ssettag $0x2  }
0xbb: {  	s0 =	rddreg [dreg:$0x0];
	s2 =	stileid.u32  }
0xbc: {  	s1 =	rddreg [dreg:$0x1];
	p0 =	sne.s32 s2, $0x0  }
0xbd: {  	s3 =	rddreg [dreg:$0x2];
	[bflag:$0x3] =	sbarrier.arrive $0xFFFF;
	s2 =	simm.s32 @!p0 $0x1C05  }
0xbe: {  	[timem:s3], [sflag:s2] =	dma.local @!p0 [hbm:s0], s1  }
0xbf: {  	s0 =	simm.s32 @!p0 $0x5  }
0xc0: {  	_ =	swait.ge @!p0 [sflag:s0], s1  }
0xc1: {  	s1 =	ssub.s32 @!p0 $0x0, s1;
	[sflag:s0] =	ssyncset.done @!p0 $0x0  }
0xc2: {  	[sflag:s0] =	ssyncadd.s32 @!p0 s1  }
0xc3: {  	[bflag:$0x3] =	sbarrier.arrive $0xFFFF  }
0xc4: {  	_ =	shalt  }

// kernel: kernel.14.cloned.1.call-start
scs
__scs_entry_jumppad:
0x0: {  	(pc) =	sbr.rel $0x88, $3  }
0x1: {  	(tag) =	ssettag $0x0;
	lr =	simm.s32 $0x1  }
0x2: {  	[smem:$0x3F9B] =	sst lr;
	_ =	strace $0xD0000000  }
0x3: {  	_ = 	snop  }
0x4: {  	_ = 	snop  }
0x5: {  	_ = 	snop  }
0x6: {  	_ = 	snop  }
0x7: {  	_ = 	snop  }
__scs_overlays_trampoline_lowered:
0x8: {  	[smem:$0x3FAA] =	sst s0  }
0x9: {  	[smem:$0x3FAB] =	sst s1  }
0xa: {  	[smem:$0x3FAC] =	sst s2  }
0xb: {  	[smem:$0x3FAD] =	sst s3  }
0xc: {  	[smem:$0x3FAE] =	sst s4  }
0xd: {  	[smem:$0x3FAF] =	sst s5  }
0xe: {  	[smem:$0x3FB0] =	sst s6  }
0xf: {  	[smem:$0x3FB1] =	sst s7  }
0x10: {  	[smem:$0x3FB2] =	sst s8  }
0x11: {  	[smem:$0x3FB3] =	sst s9;
	s0 =	simm.s32 @!p0 $0x0  }
0x12: {  	s1 =	sld [smem:$0x3F99];
	s0 =	simm.s32 @p0 $0x1  }
0x13: {  	[smem:$0x3FB4] =	sst s0;
	s0 =	simm.s32 @!p1 $0x0  }
0x14: {  	s2 =	sld [smem:$0x3F98];
	s0 =	simm.s32 @p1 $0x1  }
0x15: {  	[smem:$0x3FB5] =	sst s0;
	s0 =	simm.s32 @!p2 $0x0  }
0x16: {  	s3 =	sld [smem:$0x3FDB];
	s0 =	simm.s32 @p2 $0x1  }
0x17: {  	s4 =	simm.s32 $0x1BF5;
	[smem:$0x3FB7] =	sst s0  }
0x18: {  	s0 =	sld [smem:$0x3F9A];
	_ =	swait.ge [sflag:s4], $0x0  }
0x19: {  	s7 =	sld [smem:$0x3F9B]  }
0x1a: {  	s8 =	sadd.s32 $0xFFFFE003, lr  }
0x1b: {  	s9 =	sadd.s32 $0xFFFFFEF7, lr;
	s5 =	simm.s32 $0xFFFFFFFF;
	p2 =	slt.u32 s8, $0xFFFFF086  }
0x1c: {  	p1 =	slt.u32 s9, $0xF7A;
	s5 =	simm.s32 @!p2 $0x0  }
0x1d: {  	s5 =	simm.s32 @p1 $0x1;
	p0 =	seq.s32 s7, s2  }
0x1e: {  	s7 =	smul.u32 @!p0 $0xF7A, s2;
	p2 =	seq.s32 @!p0 s5, $0x0  }
0x1f: {  	s9 =	smul.u32 $0xF7A, s1;
	s8 =	simm.s32 @!p0 $0x1BF5;
	p2 =	por !p2, p0  }
0x20: {  	[sflag:s8] =	ssyncset.s32 @!p0 $0xFFFFF086;
	s6 =	sadd.s32 @!p0 s3, s7;
	s7 =	simm.s32 @!p0 $0x108  }
0x21: {  	s3 =	sadd.s32 s3, s9;
	s6 =	sadd.s32 @!p0 $0x88, s6;
	s7 =	simm.s32 @p2 $0x1082  }
0x22: {  	[simem:s7], [sflag:s8] =	dma.local @!p0 [hbm:s6], $0xF7A  }
0x23: {  	s9 =	sor.u32 $0xD0000000, s2;
	s6 =	simm.s32 $0x108;
	_ =	swait.ge @!p0 [sflag:s8], $0x0  }
0x24: {  	s3 =	sadd.s32 $0x88, s3;
	s6 =	simm.s32 @!p1 $0x1082;
	[sflag:s4] =	ssyncset.s32 $0xFFFFF086  }
0x25: {  	[simem:s6], [sflag:s4] =	dma.local [hbm:s3], $0xF7A  }
0x26: {  	[smem:$0x3F9B] =	sst s1;
	(tag) =	ssettag s2;
	_ =	strace s9  }
0x27: {  	s1 =	sld [smem:$0x3FAB]  }
0x28: {  	s2 =	sld [smem:$0x3FAC]  }
0x29: {  	s4 =	sld [smem:$0x3FAE]  }
0x2a: {  	p0 =	seq.s32 s5, $0x0;
	s5 =	sld [smem:$0x3FAF]  }
0x2b: {  	s6 =	sld [smem:$0x3FB0]  }
0x2c: {  	s7 =	sld [smem:$0x3FB1]  }
0x2d: {  	s3 =	simm.s32 $0x108;
	s8 =	sld [smem:$0x3FB2]  }
0x2e: {  	s3 =	simm.s32 @!p0 $0x1082;
	s9 =	sld [smem:$0x3FB3]  }
0x2f: {  	lr =	sadd.s32 s0, s3;
	s0 =	sld [smem:$0x3FAA]  }
0x30: {  	s3 =	sld [smem:$0x3FAD]  }
0x31: {  	[smem:$0x3FB6] =	sst s10  }
0x32: {  	s10 =	sld [smem:$0x3FB4];
	_ =	sdelay $0x3  }
0x33: {  	p0 =	seq.s32 s10, $0x1;
	s10 =	sld [smem:$0x3FB6];
	_ =	sdelay $0x3  }
0x34: {  	[smem:$0x3FB6] =	sst s10  }
0x35: {  	s10 =	sld [smem:$0x3FB5];
	_ =	sdelay $0x3  }
0x36: {  	p1 =	seq.s32 s10, $0x1;
	s10 =	sld [smem:$0x3FB6];
	_ =	sdelay $0x3  }
0x37: {  	[smem:$0x3FB6] =	sst s10  }
0x38: {  	s10 =	sld [smem:$0x3FB7]  }
0x39: {  	_ = 	snop;
	(pc) =	sbr.ind lr, $3  }
0x3a: {  	_ = 	snop  }
0x3b: {  	_ = 	snop  }
0x3c: {  	p2 =	seq.s32 s10, $0x1;
	s10 =	sld [smem:$0x3FB6]  }
0x3d: {  	_ =	shalt  }
0x3e: {  	_ =	shalt  }
0x3f: {  	_ =	shalt  }
0x40: {  	_ =	shalt  }
0x41: {  	_ =	shalt  }
0x42: {  	_ =	shalt  }
0x43: {  	_ =	shalt  }
0x44: {  	_ =	shalt  }
0x45: {  	_ =	shalt  }
0x46: {  	_ =	shalt  }
0x47: {  	_ =	shalt  }
0x48: {  	_ =	shalt  }
0x49: {  	_ =	shalt  }
0x4a: {  	_ =	shalt  }
0x4b: {  	_ =	shalt  }
0x4c: {  	_ =	shalt  }
0x4d: {  	_ =	shalt  }
0x4e: {  	_ =	shalt  }
0x4f: {  	_ =	shalt  }
0x50: {  	_ =	shalt  }
0x51: {  	_ =	shalt  }
0x52: {  	_ =	shalt  }
0x53: {  	_ =	shalt  }
0x54: {  	_ =	shalt  }
0x55: {  	_ =	shalt  }
0x56: {  	_ =	shalt  }
0x57: {  	_ =	shalt  }
0x58: {  	_ =	shalt  }
0x59: {  	_ =	shalt  }
0x5a: {  	_ =	shalt  }
0x5b: {  	_ =	shalt  }
0x5c: {  	_ =	shalt  }
0x5d: {  	_ =	shalt  }
0x5e: {  	_ =	shalt  }
0x5f: {  	_ =	shalt  }
0x60: {  	_ =	shalt  }
0x61: {  	_ =	shalt  }
0x62: {  	_ =	shalt  }
0x63: {  	_ =	shalt  }
0x64: {  	_ =	shalt  }
0x65: {  	_ =	shalt  }
0x66: {  	_ =	shalt  }
0x67: {  	_ =	shalt  }
0x68: {  	_ =	shalt  }
0x69: {  	_ =	shalt  }
0x6a: {  	_ =	shalt  }
0x6b: {  	_ =	shalt  }
0x6c: {  	_ =	shalt  }
0x6d: {  	_ =	shalt  }
0x6e: {  	_ =	shalt  }
0x6f: {  	_ =	shalt  }
0x70: {  	_ =	shalt  }
0x71: {  	_ =	shalt  }
0x72: {  	_ =	shalt  }
0x73: {  	_ =	shalt  }
0x74: {  	_ =	shalt  }
0x75: {  	_ =	shalt  }
0x76: {  	_ =	shalt  }
0x77: {  	_ =	shalt  }
0x78: {  	_ =	shalt  }
0x79: {  	_ =	shalt  }
0x7a: {  	_ =	shalt  }
0x7b: {  	_ =	shalt  }
0x7c: {  	_ =	shalt  }
0x7d: {  	_ =	shalt  }
0x7e: {  	_ =	shalt  }
0x7f: {  	_ =	shalt  }
0x80: {  	_ =	shalt  }
0x81: {  	_ =	shalt  }
0x82: {  	_ =	shalt  }
0x83: {  	_ =	shalt  }
0x84: {  	_ =	shalt  }
0x85: {  	_ =	shalt  }
0x86: {  	_ =	shalt  }
0x87: {  	_ =	shalt  }
.Lfunc_end0:
.L_simem_size_0:
called_computation.2_lowered:
.L_overlay_start_0:
0x88: {  	s2 =	sld [smem:$0x3FD9]  }
0x89: {  	s3 =	sld [smem:$0x3FFE];
	_ =	sdelay $0x1  }
0x8a: {  	s1 =	srdreg.scid  }
0x8b: {  	s0 =	sand.u32 $0x1, s1  }
0x8c: {  	s17 =	sshll.u32 s0, $0xA;
	s2 =	sadd.s32 s3, s2  }
0x8d: {  	s2 =	sadd.s32 s2, s17  }
0x8e: {  	[smem:$0x3FC2] =	sst s2  }
0x8f: {  	_ = 	snop  }
0x90: {  	s2 =	sld [smem:$0x3FD0];
	(tm) =	ssettm $0x1  }
0x91: {  	s18 =	sld [smem:$0x3FFB];
	_ =	sdelay $0x3  }
0x92: {  	_ =	strace s18  }
0x93: {  	s3 =	sld [smem:$0x3FFC];
	_ =	sdelay $0x3  }
0x94: {  	_ =	strace s3  }
0x95: {  	s3 =	sld [smem:$0x3FFD];
	_ =	sdelay $0x3  }
0x96: {  	_ =	strace s3  }
0x97: {  	_ =	strace $0x8FFFFFFF  }
0x98: {  	s19 =	sld [smem:$0x3FDB];
	_ =	sdelay $0x1  }
0x99: {  	s4 =	simm.s32 $_scs_section_size  }
0x9a: {  	s5 =	simm.s32 $_size__tile_overlayer_lowered;
	s6 =	simm.s32 $_tile_overlayer_lowered  }
0x9b: {  	s22 =	simm.s32 $0x1BFF;
	s21 =	sshll.u32 s6, $0x1;
	s3 =	sadd.s32 s4, s19  }
0x9c: {  	s7 =	simm.s32 $0x0;
	s20 =	sshll.u32 s5, $0x1;
	s5 =	sadd.s32 s21, s3  }
0x9d: {  	[timem:s7], [sflag:s22] =	dma.local [hbm:s5], s20  }
0x9e: {  	_ =	swait.ge [sflag:s22], s20  }
0x9f: {  	s4 =	ssub.s32 $0x0, s20;
	[sflag:s22] =	ssyncset.done $0x0  }
0xa0: {  	[sflag:s22] =	ssyncadd.s32 s4;
	_ =	sdelay $0x1  }
0xa1: {  	s23 =	simm.s32 $0x1B8B  }
0xa2: {  	_ =	swait.ge [sflag:s23], $0x1  }
0xa3: {  	[sflag:s23] =	ssyncset.done $0x0  }
0xa4: {  	s25 =	simm.s32 $0x1B8E;
	s24 =	sld [smem:$0x3FFE];
	[sflag:s23] =	ssyncadd.s32 $0xFFFFFFFF  }
0xa5: {  	s26 =	simm.s32 $execute0_lowered;
	[smem:$0x3FD2] =	sst s25  }
0xa6: {  	s5 =	sshll.u32 s26, $0x1;
	_ =	strace $0x8000004C;
	[dreg:$0x1] =	wrdreg $0xFFFFFFFF  }
0xa7: {  	s28 =	simm.s32 $_size_execute0_lowered;
	s3 =	sadd.s32 s3, s5;
	[dreg:$0x0] =	wrdreg $0x0  }
0xa8: {  	s5 =	sshll.u32 s28, $0x1;
	[dreg:$0x2] =	wrdreg s3  }
0xa9: {  	[dreg:$0x3] =	wrdreg s5  }
0xaa: {  	[dreg:$0x4] =	wrdreg $0xC0  }
0xab: {  	_ =	task [dreg:s7], $0x5FFFF  }
0xac: {  	[dreg:$0x1] =	wrdreg $0xFFFFFFFF  }
0xad: {  	[dreg:$0x0] =	wrdreg $0x60  }
0xae: {  	[dreg:$0x2] =	wrdreg s24  }
0xaf: {  	[dreg:$0x3] =	wrdreg s2  }
0xb0: {  	[dreg:$0x4] =	wrdreg $0xA8000  }
0xb1: {  	[dreg:$0x5] =	wrdreg $0x9  }
0xb2: {  	_ =	task.clear_ibuf [dreg:s7], $0x6FFFF;
	_ =	strace $0x9000004C  }
0xb3: {  	s29 =	simm.s32 $0x9;
	_ =	strace $0x8000004E  }
0xb4: {  	_ =	swait.ge [sflag:s29], $0x1  }
0xb5: {  	[sflag:s29] =	ssyncadd.s32 $0xFFFFFFFF  }
0xb6: {  	_ =	strace $0x9000004E  }
0xb7: {  	_ =	sfence  }
0xb8: {  	s30 =	sld [smem:$0x0];
	_ =	sdelay $0x2  }
0xb9: {  	s31 =	sshll.u32 s1, $0xD;
	s1 =	sshrl.u32 s1, $0x2  }
0xba: {  	s3 =	sand.u32 $0x4000, s31;
	s1 =	sadd.s32 s1, s30  }
0xbb: {  	s0 =	sor.u32 s3, s0;
	s1 =	sshll.u32 s1, $0x11  }
0xbc: {  	s0 =	sor.u32 s1, s0  }
0xbd: {  	s0 =	sadd.s32 $0x8F2B, s0  }
0xbe: {  	[sflag:s0] =	ssyncadd.remote.s32 $0x1  }
0xbf: {  	_ =	sfence.sel $0xFFFF  }
0xc0: {  	[dreg:$0x0] =	wrdreg $0xFFFFFFFF;
	(pc) =	sbr.abs _section_cstart, $3  }
0xc1: {  	[dreg:$0x1] =	wrdreg $0xFFFFFFFF  }
0xc2: {  	_ =	task.clear_ibuf [dreg:s7], $0x2FFFF;
	_ =	strace $0x9FFFFFFF  }
0xc3: {  	(tm) =	ssettm $0x7FFFFFFF  }
tec
execute0_lowered:
.L_overlay_start_1:
0x0: {  	(tag) =	ssettag $0x1  }
0x1: {  	s5 =	rddreg [dreg:$0x0]  }
0x2: {  	s14 =	rddreg [dreg:$0x1]  }
0x3: {  	s1 =	rddreg [dreg:$0x2]  }
0x4: {  	s2 =	srdreg.scid;
	s0 =	rddreg [dreg:$0x3];
	s3 =	simm.s32 $0x0  }
0x5: {  	s17 =	simm.s32 $0x5;
	s18 =	simm.s32 $0x1400;
	s19 =	simm.s32 $0x80  }
0x6: {  	s20 =	simm.s32 $0x6800;
	s21 =	simm.s32 $0x1;
	s22 =	simm.s32 $0x2  }
0x7: {  	s23 =	simm.s32 $0x3;
	s6 =	sand.u32 $0x1, s2;
	s2 =	stileid.u32  }
0x8: {  	s24 =	simm.s32 $0x4;
	[smem:$0x7FF] =	sst s3;
	s7 =	smul.u32 $0x28000, s6  }
0x9: {  	s4 =	sadd.s32 $0xC800, s5;
	s15 =	sadd.s32 $0x2800, s5;
	s8 =	smul.u32 $0x2800, s2  }
0xa: {  	s30 =	smul.u32 $0x50000, s2;
	s31 =	ssub.s32 $0x2, s6;
	s6 =	sshll.u32 s6, $0x4  }
0xb: {  	_ =	strace $0x8000004D;
	s9 =	sshrl.u32 s31, $0x1;
	s10 =	sor.u32 s2, s6  }
0xc: {  	s7 =	sadd.s32 s8, s7;
	s8 =	sshrl.u32 s30, $0x2;
	s9 =	ssub.s32 s31, s9  }
0xd: {  	s13 =	smul.u32 $0x500, s10;
	s7 =	sadd.s32 s7, s5;
	s5 =	sadd.s32 s8, s1  }
0xe: {  	s6 =	sadd.s32 $0x34800, s7;
	s7 =	smax.u32 s9, $0x1;
	s8 =	sadd.s32 $0x4000, s5  }
0xf: {  	s9 =	sadd.s32 $0x8000, s5;
	s10 =	sadd.s32 $0xC000, s5;
	s11 =	sadd.s32 $0x10000, s5  }
0x10: {  	s12 =	sadd.s32 s14, s13;
	s16 =	sadd.s32 $0x280, s13;
	s13 =	sadd.s32 s15, s13  }
0x11: {  	v0 =	vimm.f32 $0.0e+00;
	s14 =	sadd.s32 s14, s16;
	s15 =	sadd.s32 s15, s16;
	s16 =	simm.s32 $0x2800  }
.LBB2_1:
0x12: {  	s25 =	simm.s32 $0x0;
	s26 =	simm.s32 $0x200  }
.LBB2_2:
0x13: {  	p0 =	sne.s32 s26, $0xFE00;
	[tilespmem:s25+$0x2870] =	vst v0  }
0x14: {  	[tilespmem:s25+$0x2800] =	vst v0  }
0x15: {  	[tilespmem:s25+$0x2810] =	vst v0  }
.Ltmp0:
0x16: {  	[tilespmem:s25+$0x2820] =	vst v0;
	(pc) =	sbr.rel @p0 .LBB2_2-.Ltmp0, $4  }
0x17: {  	[tilespmem:s25+$0x2830] =	vst v0  }
0x18: {  	[tilespmem:s25+$0x2840] =	vst v0  }
0x19: {  	[tilespmem:s25+$0x2850] =	vst v0  }
0x1a: {  	[tilespmem:s25+$0x2860] =	vst v0;
	s25 =	sshra.s32 s26, $0x2;
	s26 =	sadd.s32 $0x200, s26  }
0x1b: {  	[tilespmem:s25+$0x2870] =	vst v0  }
0x1c: {  	[tilespmem:s25+$0x2800] =	vst v0  }
0x1d: {  	[tilespmem:s25+$0x2810] =	vst v0  }
0x1e: {  	[tilespmem:s25+$0x2820] =	vst v0  }
0x1f: {  	[tilespmem:s25+$0x2830] =	vst v0  }
0x20: {  	[tilespmem:s25+$0x2840] =	vst v0  }
0x21: {  	[tilespmem:s25+$0x2850] =	vst v0  }
0x22: {  	[tilespmem:s25+$0x2860] =	vst v0  }
0x23: {  	[spmem:s5] =	stream.linear.scatter [tilespmem:s16], [sflag:$0x5], $0x4000, $0x38;
	[tilespmem:$0x1E800] =	vst v63  }
0x24: {  	_ =	swait.ge [sflag:s17], $0x4000  }
0x25: {  	[sflag:s17] =	ssyncset.done $0x0  }
0x26: {  	[sflag:s17] =	ssyncadd.s32 $0xFFFFC000  }
0x27: {  	[spmem:s8] =	stream.linear.scatter [tilespmem:s16], [sflag:$0x5], $0x4000, $0x38;
	[tilespmem:$0x1E800] =	vst v63  }
0x28: {  	_ =	swait.ge [sflag:s17], $0x4000  }
0x29: {  	[sflag:s17] =	ssyncset.done $0x0  }
0x2a: {  	[sflag:s17] =	ssyncadd.s32 $0xFFFFC000  }
0x2b: {  	[spmem:s9] =	stream.linear.scatter [tilespmem:s16], [sflag:$0x5], $0x4000, $0x38;
	[tilespmem:$0x1E800] =	vst v63  }
0x2c: {  	_ =	swait.ge [sflag:s17], $0x4000  }
0x2d: {  	[sflag:s17] =	ssyncset.done $0x0  }
0x2e: {  	[sflag:s17] =	ssyncadd.s32 $0xFFFFC000  }
0x2f: {  	[spmem:s10] =	stream.linear.scatter [tilespmem:s16], [sflag:$0x5], $0x4000, $0x38;
	[tilespmem:$0x1E800] =	vst v63  }
0x30: {  	_ =	swait.ge [sflag:s17], $0x4000  }
0x31: {  	[sflag:s17] =	ssyncset.done $0x0  }
0x32: {  	[sflag:s17] =	ssyncadd.s32 $0xFFFFC000  }
0x33: {  	[spmem:s11] =	stream.linear.scatter [tilespmem:s16], [sflag:$0x5], $0x4000, $0x38;
	[tilespmem:$0x1E800] =	vst v63  }
0x34: {  	_ =	swait.ge [sflag:s17], $0x4000  }
0x35: {  	[sflag:s17] =	ssyncset.done $0x0  }
0x36: {  	[sflag:s17] =	ssyncadd.s32 $0xFFFFC000  }
0x37: {  	s26 =	simm.s32 $0x0;
	[bflag:$0x0] =	sbarrier.arrive $0xFFFF  }
0x38: {  	[tilespmem:s26], [sflag:$0x5] =	stream.linear.gather [hbm4b:s12+s26], $0x1400, $0x38;
	[tilespmem:$0x1E800] =	vst v63  }
0x39: {  	_ =	swait.ge [sflag:s17], $0x1400  }
0x3a: {  	[sflag:s17] =	ssyncset.done $0x0  }
0x3b: {  	[sflag:s17] =	ssyncadd.s32 $0xFFFFEC00  }
0x3c: {  	[tilespmem:s18], [sflag:$0x5] =	stream.linear.gather [hbm4b:s13+s26], $0x1400, $0x38;
	[tilespmem:$0x1E800] =	vst v63  }
0x3d: {  	_ =	swait.ge [sflag:s17], $0x1400  }
0x3e: {  	[sflag:s17] =	ssyncset.done $0x0  }
0x3f: {  	s28 =	simm.s32 $0x0;
	[sflag:s17] =	ssyncadd.s32 $0xFFFFEC00  }
0x40: {  	[tilespmem:s16], [sflag:$0x1] =	stream.indirect.gather [hbm4b:s4+s19], $0x80, s28, s19, $0xb8;
	[tilespmem:$0x1E800] =	vst v63  }
0x41: {  	s29 =	simm.s32 $0x80  }
0x42: {  	[tilespmem:s20], [sflag:$0x2] =	stream.indirect.gather [hbm4b:s4+s19], $0x80, s29, s19, $0xb8;
	[tilespmem:$0x1E800] =	vst v63  }
0x43: {  	_ =	swait.ge [sflag:s21], $0x4000  }
0x44: {  	[sflag:s21] =	ssyncset.done $0x0  }
0x45: {  	s30 =	simm.s32 $0x1400;
	[sflag:s21] =	ssyncadd.s32 $0xFFFFC000  }
0x46: {  	[spmem:s1] =	stream.indirect.scatter.add.f32 [tilespmem:s16], [sflag:$0x3], $0x80, s30, s19, $0xb8;
	[tilespmem:$0x1E800] =	vst v63  }
0x47: {  	_ =	swait.ge [sflag:s22], $0x4000  }
0x48: {  	[sflag:s22] =	ssyncset.done $0x0  }
0x49: {  	s31 =	simm.s32 $0x1480;
	[sflag:s22] =	ssyncadd.s32 $0xFFFFC000  }
0x4a: {  	[spmem:s1] =	stream.indirect.scatter.add.f32 [tilespmem:s20], [sflag:$0x4], $0x80, s31, s19, $0xb8;
	[tilespmem:$0x1E800] =	vst v63  }
0x4b: {  	_ =	swait.ge [sflag:s23], $0x4000  }
0x4c: {  	[sflag:s23] =	ssyncset.done $0x0  }
0x4d: {  	[sflag:s23] =	ssyncadd.s32 $0xFFFFC000  }
0x4e: {  	_ =	swait.ge [sflag:s24], $0x4000  }
0x4f: {  	s25 =	simm.s32 $0x400;
	s26 =	simm.s32 $0x800;
	[sflag:s24] =	ssyncset.done $0x0  }
.LBB2_4:
0x50: {  	s28 =	sshra.s32 s25, $0x2  }
0x51: {  	[sflag:s24] =	ssyncadd.s32 $0xFFFFC000;
	s25 =	smov.u32 s26;
	s29 =	sadd.s32 $0x400, s26  }
0x52: {  	[tilespmem:s16], [sflag:$0x1] =	stream.indirect.gather [hbm4b:s4+s19], $0x80, s28, s19, $0xb8;
	[tilespmem:$0x1E800] =	vst v63  }
0x53: {  	p0 =	sne.s32 s26, $0x4C00;
	s26 =	sadd.s32 $0x80, s28  }
0x54: {  	[tilespmem:s20], [sflag:$0x2] =	stream.indirect.gather [hbm4b:s4+s19], $0x80, s26, s19, $0xb8;
	[tilespmem:$0x1E800] =	vst v63  }
0x55: {  	_ =	swait.ge [sflag:s21], $0x4000  }
0x56: {  	[sflag:s21] =	ssyncset.done $0x0  }
0x57: {  	s26 =	sadd.s32 $0x1400, s28;
	[sflag:s21] =	ssyncadd.s32 $0xFFFFC000  }
0x58: {  	[spmem:s1] =	stream.indirect.scatter.add.f32 [tilespmem:s16], [sflag:$0x3], $0x80, s26, s19, $0xb8;
	[tilespmem:$0x1E800] =	vst v63  }
0x59: {  	_ =	swait.ge [sflag:s22], $0x4000  }
0x5a: {  	[sflag:s22] =	ssyncset.done $0x0  }
0x5b: {  	s26 =	sadd.s32 $0x1480, s28;
	[sflag:s22] =	ssyncadd.s32 $0xFFFFC000  }
0x5c: {  	[spmem:s1] =	stream.indirect.scatter.add.f32 [tilespmem:s20], [sflag:$0x4], $0x80, s26, s19, $0xb8;
	[tilespmem:$0x1E800] =	vst v63  }
.Ltmp1:
0x5d: {  	_ =	swait.ge [sflag:s23], $0x4000;
	(pc) =	sbr.rel @p0 .LBB2_4-.Ltmp1, $4  }
0x5e: {  	[sflag:s23] =	ssyncset.done $0x0  }
0x5f: {  	[sflag:s23] =	ssyncadd.s32 $0xFFFFC000  }
0x60: {  	_ =	swait.ge [sflag:s24], $0x4000  }
0x61: {  	s26 =	smov.u32 s29;
	[sflag:s24] =	ssyncset.done $0x0  }
0x62: {  	s25 =	sshra.s32 s25, $0x2;
	[sflag:s24] =	ssyncadd.s32 $0xFFFFC000  }
0x63: {  	[tilespmem:s16], [sflag:$0x1] =	stream.indirect.gather [hbm4b:s4+s19], $0x80, s25, s19, $0xb8;
	[tilespmem:$0x1E800] =	vst v63  }
0x64: {  	s26 =	sadd.s32 $0x80, s25  }
0x65: {  	[tilespmem:s20], [sflag:$0x2] =	stream.indirect.gather [hbm4b:s4+s19], $0x80, s26, s19, $0xb8;
	[tilespmem:$0x1E800] =	vst v63  }
0x66: {  	_ =	swait.ge [sflag:s21], $0x4000  }
0x67: {  	[sflag:s21] =	ssyncset.done $0x0  }
0x68: {  	s31 =	sadd.s32 $0x1400, s25;
	[sflag:s21] =	ssyncadd.s32 $0xFFFFC000  }
0x69: {  	[spmem:s1] =	stream.indirect.scatter.add.f32 [tilespmem:s16], [sflag:$0x3], $0x80, s31, s19, $0xb8;
	[tilespmem:$0x1E800] =	vst v63  }
0x6a: {  	_ =	swait.ge [sflag:s22], $0x4000  }
0x6b: {  	[sflag:s22] =	ssyncset.done $0x0  }
0x6c: {  	s25 =	sadd.s32 $0x1480, s25;
	[sflag:s22] =	ssyncadd.s32 $0xFFFFC000  }
0x6d: {  	[spmem:s1] =	stream.indirect.scatter.add.f32 [tilespmem:s20], [sflag:$0x4], $0x80, s25, s19, $0xb8;
	[tilespmem:$0x1E800] =	vst v63  }
0x6e: {  	_ =	swait.ge [sflag:s23], $0x4000  }
0x6f: {  	[sflag:s23] =	ssyncset.done $0x0  }
0x70: {  	[sflag:s23] =	ssyncadd.s32 $0xFFFFC000  }
0x71: {  	_ =	swait.ge [sflag:s24], $0x4000  }
0x72: {  	[sflag:s24] =	ssyncset.done $0x0  }
0x73: {  	s26 =	simm.s32 $0x0;
	[sflag:s24] =	ssyncadd.s32 $0xFFFFC000  }
0x74: {  	[tilespmem:s26], [sflag:$0x5] =	stream.linear.gather [hbm4b:s14+s26], $0x1400, $0x38;
	[tilespmem:$0x1E800] =	vst v63  }
0x75: {  	_ =	swait.ge [sflag:s17], $0x1400  }
0x76: {  	[sflag:s17] =	ssyncset.done $0x0  }
0x77: {  	[sflag:s17] =	ssyncadd.s32 $0xFFFFEC00  }
0x78: {  	[tilespmem:s18], [sflag:$0x5] =	stream.linear.gather [hbm4b:s15+s26], $0x1400, $0x38;
	[tilespmem:$0x1E800] =	vst v63  }
0x79: {  	_ =	swait.ge [sflag:s17], $0x1400  }
0x7a: {  	[sflag:s17] =	ssyncset.done $0x0  }
0x7b: {  	s28 =	simm.s32 $0x0;
	[sflag:s17] =	ssyncadd.s32 $0xFFFFEC00  }
0x7c: {  	[tilespmem:s16], [sflag:$0x1] =	stream.indirect.gather [hbm4b:s4+s19], $0x80, s28, s19, $0xb8;
	[tilespmem:$0x1E800] =	vst v63  }
0x7d: {  	s29 =	simm.s32 $0x80  }
0x7e: {  	[tilespmem:s20], [sflag:$0x2] =	stream.indirect.gather [hbm4b:s4+s19], $0x80, s29, s19, $0xb8;
	[tilespmem:$0x1E800] =	vst v63  }
0x7f: {  	_ =	swait.ge [sflag:s21], $0x4000  }
0x80: {  	[sflag:s21] =	ssyncset.done $0x0  }
0x81: {  	s30 =	simm.s32 $0x1400;
	[sflag:s21] =	ssyncadd.s32 $0xFFFFC000  }
0x82: {  	[spmem:s1] =	stream.indirect.scatter.add.f32 [tilespmem:s16], [sflag:$0x3], $0x80, s30, s19, $0xb8;
	[tilespmem:$0x1E800] =	vst v63  }
0x83: {  	_ =	swait.ge [sflag:s22], $0x4000  }
0x84: {  	[sflag:s22] =	ssyncset.done $0x0  }
0x85: {  	s31 =	simm.s32 $0x1480;
	[sflag:s22] =	ssyncadd.s32 $0xFFFFC000  }
0x86: {  	[spmem:s1] =	stream.indirect.scatter.add.f32 [tilespmem:s20], [sflag:$0x4], $0x80, s31, s19, $0xb8;
	[tilespmem:$0x1E800] =	vst v63  }
0x87: {  	_ =	swait.ge [sflag:s23], $0x4000  }
0x88: {  	[sflag:s23] =	ssyncset.done $0x0  }
0x89: {  	[sflag:s23] =	ssyncadd.s32 $0xFFFFC000  }
0x8a: {  	_ =	swait.ge [sflag:s24], $0x4000  }
0x8b: {  	s25 =	simm.s32 $0x400;
	s26 =	simm.s32 $0x800;
	[sflag:s24] =	ssyncset.done $0x0  }
.LBB2_6:
0x8c: {  	s28 =	sshra.s32 s25, $0x2  }
0x8d: {  	[sflag:s24] =	ssyncadd.s32 $0xFFFFC000;
	s25 =	smov.u32 s26;
	s29 =	sadd.s32 $0x400, s26  }
0x8e: {  	[tilespmem:s16], [sflag:$0x1] =	stream.indirect.gather [hbm4b:s4+s19], $0x80, s28, s19, $0xb8;
	[tilespmem:$0x1E800] =	vst v63  }
0x8f: {  	p0 =	sne.s32 s26, $0x4C00;
	s26 =	sadd.s32 $0x80, s28  }
0x90: {  	[tilespmem:s20], [sflag:$0x2] =	stream.indirect.gather [hbm4b:s4+s19], $0x80, s26, s19, $0xb8;
	[tilespmem:$0x1E800] =	vst v63  }
0x91: {  	_ =	swait.ge [sflag:s21], $0x4000  }
0x92: {  	[sflag:s21] =	ssyncset.done $0x0  }
0x93: {  	s26 =	sadd.s32 $0x1400, s28;
	[sflag:s21] =	ssyncadd.s32 $0xFFFFC000  }
0x94: {  	[spmem:s1] =	stream.indirect.scatter.add.f32 [tilespmem:s16], [sflag:$0x3], $0x80, s26, s19, $0xb8;
	[tilespmem:$0x1E800] =	vst v63  }
0x95: {  	_ =	swait.ge [sflag:s22], $0x4000  }
0x96: {  	[sflag:s22] =	ssyncset.done $0x0  }
0x97: {  	s26 =	sadd.s32 $0x1480, s28;
	[sflag:s22] =	ssyncadd.s32 $0xFFFFC000  }
0x98: {  	[spmem:s1] =	stream.indirect.scatter.add.f32 [tilespmem:s20], [sflag:$0x4], $0x80, s26, s19, $0xb8;
	[tilespmem:$0x1E800] =	vst v63  }
.Ltmp2:
0x99: {  	_ =	swait.ge [sflag:s23], $0x4000;
	(pc) =	sbr.rel @p0 .LBB2_6-.Ltmp2, $4  }
0x9a: {  	[sflag:s23] =	ssyncset.done $0x0  }
0x9b: {  	[sflag:s23] =	ssyncadd.s32 $0xFFFFC000  }
0x9c: {  	_ =	swait.ge [sflag:s24], $0x4000  }
0x9d: {  	s26 =	smov.u32 s29;
	[sflag:s24] =	ssyncset.done $0x0  }
0x9e: {  	s25 =	sshra.s32 s25, $0x2;
	[sflag:s24] =	ssyncadd.s32 $0xFFFFC000  }
0x9f: {  	[tilespmem:s16], [sflag:$0x1] =	stream.indirect.gather [hbm4b:s4+s19], $0x80, s25, s19, $0xb8;
	[tilespmem:$0x1E800] =	vst v63  }
0xa0: {  	s26 =	sadd.s32 $0x80, s25  }
0xa1: {  	[tilespmem:s20], [sflag:$0x2] =	stream.indirect.gather [hbm4b:s4+s19], $0x80, s26, s19, $0xb8;
	[tilespmem:$0x1E800] =	vst v63  }
0xa2: {  	_ =	swait.ge [sflag:s21], $0x4000  }
0xa3: {  	[sflag:s21] =	ssyncset.done $0x0  }
0xa4: {  	s29 =	sadd.s32 $0x1400, s25;
	[sflag:s21] =	ssyncadd.s32 $0xFFFFC000  }
0xa5: {  	[spmem:s1] =	stream.indirect.scatter.add.f32 [tilespmem:s16], [sflag:$0x3], $0x80, s29, s19, $0xb8;
	[tilespmem:$0x1E800] =	vst v63  }
0xa6: {  	_ =	swait.ge [sflag:s22], $0x4000  }
0xa7: {  	[sflag:s22] =	ssyncset.done $0x0  }
0xa8: {  	s25 =	sadd.s32 $0x1480, s25;
	[sflag:s22] =	ssyncadd.s32 $0xFFFFC000  }
0xa9: {  	[spmem:s1] =	stream.indirect.scatter.add.f32 [tilespmem:s20], [sflag:$0x4], $0x80, s25, s19, $0xb8;
	[tilespmem:$0x1E800] =	vst v63  }
0xaa: {  	_ =	swait.ge [sflag:s23], $0x4000  }
0xab: {  	[sflag:s23] =	ssyncset.done $0x0  }
0xac: {  	[sflag:s23] =	ssyncadd.s32 $0xFFFFC000  }
0xad: {  	_ =	swait.ge [sflag:s24], $0x4000  }
0xae: {  	s30 =	sshll.u32 s2, $0x6;
	s3 =	sadd.s32 $0x1, s3;
	[sflag:s24] =	ssyncset.done $0x0  }
0xaf: {  	s31 =	sshrl.u32 s5, $0x3;
	p0 =	sne.s32 s3, s7;
	[sflag:s24] =	ssyncadd.s32 $0xFFFFC000  }
.Ltmp3:
0xb0: {  	s25 =	sor.u32 $0x1C05, s30;
	[bflag:$0x0] =	sbarrier.arrive $0xFFFF;
	(pc) =	sbr.rel @p0 .LBB2_1-.Ltmp3, $4  }
0xb1: {  	[hbm:s6], [sflag:s25] =	dma.local [spmem:s31], $0x2800  }
0xb2: {  	_ =	swait.ge [sflag:s17], $0x2800  }
0xb3: {  	[sflag:s17] =	ssyncset.done $0x0  }
0xb4: {  	[sflag:s17] =	ssyncadd.s32 $0xFFFFD800  }
0xb5: {  	_ =	sfence.sel $0x180000  }
0xb6: {  	[bflag:$0x0] =	sbarrier.arrive $0xFFFF  }
0xb7: {  	p0 =	sne.s32 s2, $0x0;
	_ =	strace $0x9000004D  }
0xb8: {  	s0 =	sadd.s32 @!p0 $0x100000, s0;
	[bflag:$0x2] =	sbarrier.arrive $0xFFFF  }
0xb9: {  	[sflag:s0] =	ssyncadd.tile.s32 @!p0 $0x1;
	_ =	shalt  }
.Lfunc_end2:
_tile_overlayer_lowered:
.L_overlay_start_2:
0xba: {  	(tag) =	ssettag $0x2  }
0xbb: {  	s0 =	rddreg [dreg:$0x0];
	s2 =	stileid.u32  }
0xbc: {  	s1 =	rddreg [dreg:$0x1];
	p0 =	sne.s32 s2, $0x0  }
0xbd: {  	s3 =	rddreg [dreg:$0x2];
	[bflag:$0x3] =	sbarrier.arrive $0xFFFF;
	s2 =	simm.s32 @!p0 $0x1C05  }
0xbe: {  	[timem:s3], [sflag:s2] =	dma.local @!p0 [hbm:s0], s1  }
0xbf: {  	s0 =	simm.s32 @!p0 $0x5  }
0xc0: {  	_ =	swait.ge @!p0 [sflag:s0], s1  }
0xc1: {  	s1 =	ssub.s32 @!p0 $0x0, s1;
	[sflag:s0] =	ssyncset.done @!p0 $0x0  }
0xc2: {  	[sflag:s0] =	ssyncadd.s32 @!p0 s1  }
0xc3: {  	[bflag:$0x3] =	sbarrier.arrive $0xFFFF  }
0xc4: {  	_ =	shalt  }

// kernel: kernel.8.cloned.1.call-start
scs
__scs_entry_jumppad:
0x0: {  	(pc) =	sbr.rel $0x88, $3  }
0x1: {  	(tag) =	ssettag $0x0;
	lr =	simm.s32 $0x1  }
0x2: {  	[smem:$0x3F9B] =	sst lr;
	_ =	strace $0xD0000000  }
0x3: {  	_ = 	snop  }
0x4: {  	_ = 	snop  }
0x5: {  	_ = 	snop  }
0x6: {  	_ = 	snop  }
0x7: {  	_ = 	snop  }
__scs_overlays_trampoline_lowered:
0x8: {  	[smem:$0x3FAA] =	sst s0  }
0x9: {  	[smem:$0x3FAB] =	sst s1  }
0xa: {  	[smem:$0x3FAC] =	sst s2  }
0xb: {  	[smem:$0x3FAD] =	sst s3  }
0xc: {  	[smem:$0x3FAE] =	sst s4  }
0xd: {  	[smem:$0x3FAF] =	sst s5  }
0xe: {  	[smem:$0x3FB0] =	sst s6  }
0xf: {  	[smem:$0x3FB1] =	sst s7  }
0x10: {  	[smem:$0x3FB2] =	sst s8  }
0x11: {  	[smem:$0x3FB3] =	sst s9;
	s0 =	simm.s32 @!p0 $0x0  }
0x12: {  	s1 =	sld [smem:$0x3F99];
	s0 =	simm.s32 @p0 $0x1  }
0x13: {  	[smem:$0x3FB4] =	sst s0;
	s0 =	simm.s32 @!p1 $0x0  }
0x14: {  	s2 =	sld [smem:$0x3F98];
	s0 =	simm.s32 @p1 $0x1  }
0x15: {  	[smem:$0x3FB5] =	sst s0;
	s0 =	simm.s32 @!p2 $0x0  }
0x16: {  	s3 =	sld [smem:$0x3FDB];
	s0 =	simm.s32 @p2 $0x1  }
0x17: {  	s4 =	simm.s32 $0x1BF5;
	[smem:$0x3FB7] =	sst s0  }
0x18: {  	s0 =	sld [smem:$0x3F9A];
	_ =	swait.ge [sflag:s4], $0x0  }
0x19: {  	s7 =	sld [smem:$0x3F9B]  }
0x1a: {  	s8 =	sadd.s32 $0xFFFFE003, lr  }
0x1b: {  	s9 =	sadd.s32 $0xFFFFFEF7, lr;
	s5 =	simm.s32 $0xFFFFFFFF;
	p2 =	slt.u32 s8, $0xFFFFF086  }
0x1c: {  	p1 =	slt.u32 s9, $0xF7A;
	s5 =	simm.s32 @!p2 $0x0  }
0x1d: {  	s5 =	simm.s32 @p1 $0x1;
	p0 =	seq.s32 s7, s2  }
0x1e: {  	s7 =	smul.u32 @!p0 $0xF7A, s2;
	p2 =	seq.s32 @!p0 s5, $0x0  }
0x1f: {  	s9 =	smul.u32 $0xF7A, s1;
	s8 =	simm.s32 @!p0 $0x1BF5;
	p2 =	por !p2, p0  }
0x20: {  	[sflag:s8] =	ssyncset.s32 @!p0 $0xFFFFF086;
	s6 =	sadd.s32 @!p0 s3, s7;
	s7 =	simm.s32 @!p0 $0x108  }
0x21: {  	s3 =	sadd.s32 s3, s9;
	s6 =	sadd.s32 @!p0 $0x88, s6;
	s7 =	simm.s32 @p2 $0x1082  }
0x22: {  	[simem:s7], [sflag:s8] =	dma.local @!p0 [hbm:s6], $0xF7A  }
0x23: {  	s9 =	sor.u32 $0xD0000000, s2;
	s6 =	simm.s32 $0x108;
	_ =	swait.ge @!p0 [sflag:s8], $0x0  }
0x24: {  	s3 =	sadd.s32 $0x88, s3;
	s6 =	simm.s32 @!p1 $0x1082;
	[sflag:s4] =	ssyncset.s32 $0xFFFFF086  }
0x25: {  	[simem:s6], [sflag:s4] =	dma.local [hbm:s3], $0xF7A  }
0x26: {  	[smem:$0x3F9B] =	sst s1;
	(tag) =	ssettag s2;
	_ =	strace s9  }
0x27: {  	s1 =	sld [smem:$0x3FAB]  }
0x28: {  	s2 =	sld [smem:$0x3FAC]  }
0x29: {  	s4 =	sld [smem:$0x3FAE]  }
0x2a: {  	p0 =	seq.s32 s5, $0x0;
	s5 =	sld [smem:$0x3FAF]  }
0x2b: {  	s6 =	sld [smem:$0x3FB0]  }
0x2c: {  	s7 =	sld [smem:$0x3FB1]  }
0x2d: {  	s3 =	simm.s32 $0x108;
	s8 =	sld [smem:$0x3FB2]  }
0x2e: {  	s3 =	simm.s32 @!p0 $0x1082;
	s9 =	sld [smem:$0x3FB3]  }
0x2f: {  	lr =	sadd.s32 s0, s3;
	s0 =	sld [smem:$0x3FAA]  }
0x30: {  	s3 =	sld [smem:$0x3FAD]  }
0x31: {  	[smem:$0x3FB6] =	sst s10  }
0x32: {  	s10 =	sld [smem:$0x3FB4];
	_ =	sdelay $0x3  }
0x33: {  	p0 =	seq.s32 s10, $0x1;
	s10 =	sld [smem:$0x3FB6];
	_ =	sdelay $0x3  }
0x34: {  	[smem:$0x3FB6] =	sst s10  }
0x35: {  	s10 =	sld [smem:$0x3FB5];
	_ =	sdelay $0x3  }
0x36: {  	p1 =	seq.s32 s10, $0x1;
	s10 =	sld [smem:$0x3FB6];
	_ =	sdelay $0x3  }
0x37: {  	[smem:$0x3FB6] =	sst s10  }
0x38: {  	s10 =	sld [smem:$0x3FB7]  }
0x39: {  	_ = 	snop;
	(pc) =	sbr.ind lr, $3  }
0x3a: {  	_ = 	snop  }
0x3b: {  	_ = 	snop  }
0x3c: {  	p2 =	seq.s32 s10, $0x1;
	s10 =	sld [smem:$0x3FB6]  }
0x3d: {  	_ =	shalt  }
0x3e: {  	_ =	shalt  }
0x3f: {  	_ =	shalt  }
0x40: {  	_ =	shalt  }
0x41: {  	_ =	shalt  }
0x42: {  	_ =	shalt  }
0x43: {  	_ =	shalt  }
0x44: {  	_ =	shalt  }
0x45: {  	_ =	shalt  }
0x46: {  	_ =	shalt  }
0x47: {  	_ =	shalt  }
0x48: {  	_ =	shalt  }
0x49: {  	_ =	shalt  }
0x4a: {  	_ =	shalt  }
0x4b: {  	_ =	shalt  }
0x4c: {  	_ =	shalt  }
0x4d: {  	_ =	shalt  }
0x4e: {  	_ =	shalt  }
0x4f: {  	_ =	shalt  }
0x50: {  	_ =	shalt  }
0x51: {  	_ =	shalt  }
0x52: {  	_ =	shalt  }
0x53: {  	_ =	shalt  }
0x54: {  	_ =	shalt  }
0x55: {  	_ =	shalt  }
0x56: {  	_ =	shalt  }
0x57: {  	_ =	shalt  }
0x58: {  	_ =	shalt  }
0x59: {  	_ =	shalt  }
0x5a: {  	_ =	shalt  }
0x5b: {  	_ =	shalt  }
0x5c: {  	_ =	shalt  }
0x5d: {  	_ =	shalt  }
0x5e: {  	_ =	shalt  }
0x5f: {  	_ =	shalt  }
0x60: {  	_ =	shalt  }
0x61: {  	_ =	shalt  }
0x62: {  	_ =	shalt  }
0x63: {  	_ =	shalt  }
0x64: {  	_ =	shalt  }
0x65: {  	_ =	shalt  }
0x66: {  	_ =	shalt  }
0x67: {  	_ =	shalt  }
0x68: {  	_ =	shalt  }
0x69: {  	_ =	shalt  }
0x6a: {  	_ =	shalt  }
0x6b: {  	_ =	shalt  }
0x6c: {  	_ =	shalt  }
0x6d: {  	_ =	shalt  }
0x6e: {  	_ =	shalt  }
0x6f: {  	_ =	shalt  }
0x70: {  	_ =	shalt  }
0x71: {  	_ =	shalt  }
0x72: {  	_ =	shalt  }
0x73: {  	_ =	shalt  }
0x74: {  	_ =	shalt  }
0x75: {  	_ =	shalt  }
0x76: {  	_ =	shalt  }
0x77: {  	_ =	shalt  }
0x78: {  	_ =	shalt  }
0x79: {  	_ =	shalt  }
0x7a: {  	_ =	shalt  }
0x7b: {  	_ =	shalt  }
0x7c: {  	_ =	shalt  }
0x7d: {  	_ =	shalt  }
0x7e: {  	_ =	shalt  }
0x7f: {  	_ =	shalt  }
0x80: {  	_ =	shalt  }
0x81: {  	_ =	shalt  }
0x82: {  	_ =	shalt  }
0x83: {  	_ =	shalt  }
0x84: {  	_ =	shalt  }
0x85: {  	_ =	shalt  }
0x86: {  	_ =	shalt  }
0x87: {  	_ =	shalt  }
.Lfunc_end0:
.L_simem_size_0:
called_computation_lowered:
.L_overlay_start_0:
0x88: {  	s2 =	sld [smem:$0x3FD9]  }
0x89: {  	s3 =	sld [smem:$0x3FFE];
	_ =	sdelay $0x1  }
0x8a: {  	s1 =	srdreg.scid  }
0x8b: {  	s0 =	sand.u32 $0x1, s1  }
0x8c: {  	s16 =	sshll.u32 s0, $0xA;
	s2 =	sadd.s32 s3, s2  }
0x8d: {  	s2 =	sadd.s32 s2, s16  }
0x8e: {  	[smem:$0x3FC2] =	sst s2  }
0x8f: {  	_ = 	snop  }
0x90: {  	(tm) =	ssettm $0x1  }
0x91: {  	s17 =	sld [smem:$0x3FFB];
	_ =	sdelay $0x3  }
0x92: {  	_ =	strace s17  }
0x93: {  	s2 =	sld [smem:$0x3FFC];
	_ =	sdelay $0x3  }
0x94: {  	_ =	strace s2  }
0x95: {  	s2 =	sld [smem:$0x3FFD];
	_ =	sdelay $0x3  }
0x96: {  	_ =	strace s2  }
0x97: {  	_ =	strace $0x8FFFFFFF  }
0x98: {  	s18 =	sld [smem:$0x3FDB];
	_ =	sdelay $0x1  }
0x99: {  	s19 =	simm.s32 $_scs_section_size  }
0x9a: {  	s4 =	simm.s32 $_size__tile_overlayer_lowered;
	s5 =	simm.s32 $_tile_overlayer_lowered  }
0x9b: {  	s22 =	simm.s32 $0x1BFF;
	s21 =	sshll.u32 s5, $0x1;
	s2 =	sadd.s32 s19, s18  }
0x9c: {  	s6 =	simm.s32 $0x0;
	s20 =	sshll.u32 s4, $0x1;
	s4 =	sadd.s32 s21, s2  }
0x9d: {  	[timem:s6], [sflag:s22] =	dma.local [hbm:s4], s20  }
0x9e: {  	_ =	swait.ge [sflag:s22], s20  }
0x9f: {  	s3 =	ssub.s32 $0x0, s20;
	[sflag:s22] =	ssyncset.done $0x0  }
0xa0: {  	[sflag:s22] =	ssyncadd.s32 s3;
	_ =	sdelay $0x1  }
0xa1: {  	s23 =	simm.s32 $0x1B8B  }
0xa2: {  	_ =	swait.ge [sflag:s23], $0x1  }
0xa3: {  	[sflag:s23] =	ssyncset.done $0x0  }
0xa4: {  	s25 =	simm.s32 $0x1B8E;
	s24 =	sld [smem:$0x3FFE];
	[sflag:s23] =	ssyncadd.s32 $0xFFFFFFFF  }
0xa5: {  	s26 =	simm.s32 $execute0_lowered;
	[smem:$0x3FD2] =	sst s25  }
0xa6: {  	s4 =	sshll.u32 s26, $0x1;
	_ =	strace $0x80000046;
	[dreg:$0x1] =	wrdreg $0xFFFFFFFF  }
0xa7: {  	s28 =	simm.s32 $_size_execute0_lowered;
	s2 =	sadd.s32 s2, s4;
	[dreg:$0x0] =	wrdreg $0x0  }
0xa8: {  	s4 =	sshll.u32 s28, $0x1;
	[dreg:$0x2] =	wrdreg s2  }
0xa9: {  	[dreg:$0x3] =	wrdreg s4  }
0xaa: {  	[dreg:$0x4] =	wrdreg $0xC0  }
0xab: {  	_ =	task [dreg:s6], $0x5FFFF  }
0xac: {  	[dreg:$0x1] =	wrdreg $0xFFFFFFFF  }
0xad: {  	[dreg:$0x0] =	wrdreg $0x60  }
0xae: {  	[dreg:$0x2] =	wrdreg s24  }
0xaf: {  	[dreg:$0x3] =	wrdreg $0x68000  }
0xb0: {  	[dreg:$0x4] =	wrdreg $0x9  }
0xb1: {  	_ =	task.clear_ibuf [dreg:s6], $0x5FFFF;
	_ =	strace $0x90000046  }
0xb2: {  	s29 =	simm.s32 $0x9;
	_ =	strace $0x80000048  }
0xb3: {  	_ =	swait.ge [sflag:s29], $0x1  }
0xb4: {  	[sflag:s29] =	ssyncadd.s32 $0xFFFFFFFF  }
0xb5: {  	_ =	strace $0x90000048  }
0xb6: {  	_ =	sfence  }
0xb7: {  	s30 =	sld [smem:$0x0];
	_ =	sdelay $0x2  }
0xb8: {  	s31 =	sshll.u32 s1, $0xD;
	s1 =	sshrl.u32 s1, $0x2  }
0xb9: {  	s3 =	sand.u32 $0x4000, s31;
	s1 =	sadd.s32 s1, s30  }
0xba: {  	s0 =	sor.u32 s3, s0;
	s1 =	sshll.u32 s1, $0x11  }
0xbb: {  	s0 =	sor.u32 s1, s0  }
0xbc: {  	s0 =	sadd.s32 $0x8F2B, s0  }
0xbd: {  	[sflag:s0] =	ssyncadd.remote.s32 $0x1  }
0xbe: {  	_ =	sfence.sel $0xFFFF  }
0xbf: {  	[dreg:$0x0] =	wrdreg $0xFFFFFFFF;
	(pc) =	sbr.abs _section_cstart, $3  }
0xc0: {  	[dreg:$0x1] =	wrdreg $0xFFFFFFFF  }
0xc1: {  	_ =	task.clear_ibuf [dreg:s6], $0x2FFFF;
	_ =	strace $0x9FFFFFFF  }
0xc2: {  	(tm) =	ssettm $0x7FFFFFFF  }
0xc3: {  	_ =	shalt  }
tec
execute0_lowered:
.L_overlay_start_1:
0x0: {  	(tag) =	ssettag $0x1  }
0x1: {  	s5 =	rddreg [dreg:$0x0]  }
0x2: {  	s0 =	srdreg.scid;
	s2 =	rddreg [dreg:$0x1]  }
0x3: {  	s3 =	simm.s32 $0x0;
	s4 =	sand.u32 $0x1, s0;
	s0 =	stileid.u32  }
0x4: {  	s12 =	simm.s32 $0x2800;
	s13 =	simm.s32 $0x1;
	s7 =	smul.u32 $0x2800, s0  }
0x5: {  	s14 =	simm.s32 $0x80;
	[smem:$0x7FF] =	sst s3;
	s8 =	smul.u32 $0x28000, s4  }
0x6: {  	s1 =	sshll.u32 s4, $0x4;
	s9 =	smul.u32 $0x50000, s0;
	s4 =	ssub.s32 $0x2, s4  }
0x7: {  	s15 =	sshll.u32 s0, $0x6;
	s1 =	sor.u32 s0, s1;
	s29 =	sshrl.u32 s4, $0x1  }
0x8: {  	s15 =	sor.u32 $0x1C01, s15;
	s6 =	smul.u32 $0x500, s1;
	s1 =	rddreg [dreg:$0x2]  }
0x9: {  	_ =	strace $0x80000047;
	s7 =	sadd.s32 s7, s8;
	s30 =	sshrl.u32 s9, $0x2  }
0xa: {  	s31 =	ssub.s32 s4, s29;
	s7 =	sadd.s32 s7, s5;
	s4 =	sadd.s32 s30, s2  }
0xb: {  	s6 =	sadd.s32 s6, s5;
	s8 =	sadd.s32 $0x4000, s4;
	s9 =	sadd.s32 $0x8000, s4  }
0xc: {  	s10 =	sadd.s32 $0xC000, s4;
	s11 =	sadd.s32 $0x10000, s4;
	s16 =	sshrl.u32 s4, $0x3  }
0xd: {  	v0 =	vimm.f32 $0.0e+00;
	v1 =	vimm.f32 $1.000000000e+00;
	s5 =	sadd.s32 $0x2800, s6;
	s6 =	sadd.s32 $0xC800, s7;
	s7 =	smax.u32 s31, $0x1  }
.LBB2_1:
0xe: {  	s17 =	simm.s32 $0x0;
	s18 =	simm.s32 $0x200  }
.LBB2_2:
0xf: {  	p0 =	sne.s32 s18, $0xFE00;
	[tilespmem:s17+$0x2870] =	vst v0  }
0x10: {  	[tilespmem:s17+$0x2800] =	vst v0  }
0x11: {  	[tilespmem:s17+$0x2810] =	vst v0  }
.Ltmp0:
0x12: {  	[tilespmem:s17+$0x2820] =	vst v0;
	(pc) =	sbr.rel @p0 .LBB2_2-.Ltmp0, $4  }
0x13: {  	[tilespmem:s17+$0x2830] =	vst v0  }
0x14: {  	[tilespmem:s17+$0x2840] =	vst v0  }
0x15: {  	[tilespmem:s17+$0x2850] =	vst v0  }
0x16: {  	[tilespmem:s17+$0x2860] =	vst v0;
	s17 =	sshra.s32 s18, $0x2;
	s18 =	sadd.s32 $0x200, s18  }
0x17: {  	[tilespmem:s17+$0x2870] =	vst v0  }
0x18: {  	[tilespmem:s17+$0x2800] =	vst v0  }
0x19: {  	[tilespmem:s17+$0x2810] =	vst v0  }
0x1a: {  	[tilespmem:s17+$0x2820] =	vst v0  }
0x1b: {  	[tilespmem:s17+$0x2830] =	vst v0  }
0x1c: {  	[tilespmem:s17+$0x2840] =	vst v0  }
0x1d: {  	[tilespmem:s17+$0x2850] =	vst v0  }
0x1e: {  	[tilespmem:s17+$0x2860] =	vst v0  }
0x1f: {  	[spmem:s4] =	stream.linear.scatter [tilespmem:s12], [sflag:$0x1], $0x4000, $0x38;
	[tilespmem:$0x1A800] =	vst v63  }
0x20: {  	_ =	swait.ge [sflag:s13], $0x4000  }
0x21: {  	[sflag:s13] =	ssyncset.done $0x0  }
0x22: {  	[sflag:s13] =	ssyncadd.s32 $0xFFFFC000  }
0x23: {  	[spmem:s8] =	stream.linear.scatter [tilespmem:s12], [sflag:$0x1], $0x4000, $0x38;
	[tilespmem:$0x1A800] =	vst v63  }
0x24: {  	_ =	swait.ge [sflag:s13], $0x4000  }
0x25: {  	[sflag:s13] =	ssyncset.done $0x0  }
0x26: {  	[sflag:s13] =	ssyncadd.s32 $0xFFFFC000  }
0x27: {  	[spmem:s9] =	stream.linear.scatter [tilespmem:s12], [sflag:$0x1], $0x4000, $0x38;
	[tilespmem:$0x1A800] =	vst v63  }
0x28: {  	_ =	swait.ge [sflag:s13], $0x4000  }
0x29: {  	[sflag:s13] =	ssyncset.done $0x0  }
0x2a: {  	[sflag:s13] =	ssyncadd.s32 $0xFFFFC000  }
0x2b: {  	[spmem:s10] =	stream.linear.scatter [tilespmem:s12], [sflag:$0x1], $0x4000, $0x38;
	[tilespmem:$0x1A800] =	vst v63  }
0x2c: {  	_ =	swait.ge [sflag:s13], $0x4000  }
0x2d: {  	[sflag:s13] =	ssyncset.done $0x0  }
0x2e: {  	[sflag:s13] =	ssyncadd.s32 $0xFFFFC000  }
0x2f: {  	[spmem:s11] =	stream.linear.scatter [tilespmem:s12], [sflag:$0x1], $0x4000, $0x38;
	[tilespmem:$0x1A800] =	vst v63  }
0x30: {  	_ =	swait.ge [sflag:s13], $0x4000  }
0x31: {  	[sflag:s13] =	ssyncset.done $0x0  }
0x32: {  	[sflag:s13] =	ssyncadd.s32 $0xFFFFC000  }
0x33: {  	s17 =	simm.s32 $0x0;
	s18 =	simm.s32 $0x200;
	[bflag:$0x0] =	sbarrier.arrive $0xFFFF  }
.LBB2_4:
0x34: {  	p0 =	sne.s32 s18, $0xFE00;
	[tilespmem:s17+$0x2870] =	vst v1  }
0x35: {  	[tilespmem:s17+$0x2800] =	vst v1  }
0x36: {  	[tilespmem:s17+$0x2810] =	vst v1  }
.Ltmp1:
0x37: {  	[tilespmem:s17+$0x2820] =	vst v1;
	(pc) =	sbr.rel @p0 .LBB2_4-.Ltmp1, $4  }
0x38: {  	[tilespmem:s17+$0x2830] =	vst v1  }
0x39: {  	[tilespmem:s17+$0x2840] =	vst v1  }
0x3a: {  	[tilespmem:s17+$0x2850] =	vst v1  }
0x3b: {  	[tilespmem:s17+$0x2860] =	vst v1;
	s17 =	sshra.s32 s18, $0x2;
	s18 =	sadd.s32 $0x200, s18  }
0x3c: {  	[tilespmem:s17+$0x2870] =	vst v1  }
0x3d: {  	[tilespmem:s17+$0x2800] =	vst v1  }
0x3e: {  	[tilespmem:s17+$0x2810] =	vst v1  }
0x3f: {  	[tilespmem:s17+$0x2820] =	vst v1  }
0x40: {  	[tilespmem:s17+$0x2830] =	vst v1  }
0x41: {  	[tilespmem:s17+$0x2840] =	vst v1  }
0x42: {  	[tilespmem:s17+$0x2850] =	vst v1  }
0x43: {  	[tilespmem:s17+$0x2860] =	vst v1;
	s30 =	simm.s32 $0x0  }
0x44: {  	[tilespmem:s30], [sflag:$0x1] =	stream.linear.gather [hbm4b:s5+s30], $0x2800, $0x38;
	[tilespmem:$0x1A800] =	vst v63  }
0x45: {  	_ =	swait.ge [sflag:s13], $0x2800  }
0x46: {  	[sflag:s13] =	ssyncset.done $0x0  }
0x47: {  	s31 =	simm.s32 $0x0;
	[sflag:s13] =	ssyncadd.s32 $0xFFFFD800  }
0x48: {  	[spmem:s2] =	stream.indirect.scatter.add.f32 [tilespmem:s12], [sflag:$0x1], $0x80, s31, s14, $0xb8;
	[tilespmem:$0x1A800] =	vst v63  }
0x49: {  	_ =	swait.ge [sflag:s13], $0x4000  }
0x4a: {  	s17 =	simm.s32 $0x200;
	[sflag:s13] =	ssyncset.done $0x0  }
.LBB2_6:
0x4b: {  	s18 =	sshra.s32 s17, $0x2;
	[sflag:s13] =	ssyncadd.s32 $0xFFFFC000;
	p0 =	sne.s32 s17, $0x9E00  }
0x4c: {  	[spmem:s2] =	stream.indirect.scatter.add.f32 [tilespmem:s12], [sflag:$0x1], $0x80, s18, s14, $0xb8;
	[tilespmem:$0x1A800] =	vst v63  }
.Ltmp2:
0x4d: {  	_ = 	snop;
	(pc) =	sbr.rel @p0 .LBB2_6-.Ltmp2, $4  }
0x4e: {  	_ = 	snop  }
0x4f: {  	s17 =	sadd.s32 $0x200, s17  }
0x50: {  	_ =	swait.ge [sflag:s13], $0x4000  }
0x51: {  	[sflag:s13] =	ssyncset.done $0x0  }
0x52: {  	s3 =	sadd.s32 $0x1, s3  }
0x53: {  	[sflag:s13] =	ssyncadd.s32 $0xFFFFC000;
	p0 =	sne.s32 s3, s7  }
.Ltmp3:
0x54: {  	[bflag:$0x0] =	sbarrier.arrive $0xFFFF;
	(pc) =	sbr.rel @p0 .LBB2_1-.Ltmp3, $4  }
0x55: {  	[hbm:s6], [sflag:s15] =	dma.local [spmem:s16], $0x2800  }
0x56: {  	_ =	swait.ge [sflag:s13], $0x2800  }
0x57: {  	[sflag:s13] =	ssyncset.done $0x0  }
0x58: {  	[sflag:s13] =	ssyncadd.s32 $0xFFFFD800  }
0x59: {  	_ =	sfence.sel $0x180000  }
0x5a: {  	[bflag:$0x0] =	sbarrier.arrive $0xFFFF  }
0x5b: {  	p0 =	sne.s32 s0, $0x0;
	_ =	strace $0x90000047  }
0x5c: {  	s0 =	sadd.s32 @!p0 $0x100000, s1;
	[bflag:$0x2] =	sbarrier.arrive $0xFFFF  }
0x5d: {  	[sflag:s0] =	ssyncadd.tile.s32 @!p0 $0x1;
	_ =	shalt  }
.Lfunc_end2:
_tile_overlayer_lowered:
.L_overlay_start_2:
0x5e: {  	(tag) =	ssettag $0x2  }
0x5f: {  	s0 =	rddreg [dreg:$0x0];
	s2 =	stileid.u32  }
0x60: {  	s1 =	rddreg [dreg:$0x1];
	p0 =	sne.s32 s2, $0x0  }
0x61: {  	s3 =	rddreg [dreg:$0x2];
	[bflag:$0x3] =	sbarrier.arrive $0xFFFF;
	s2 =	simm.s32 @!p0 $0x1C01  }
0x62: {  	[timem:s3], [sflag:s2] =	dma.local @!p0 [hbm:s0], s1  }
0x63: {  	s0 =	simm.s32 @!p0 $0x1  }
0x64: {  	_ =	swait.ge @!p0 [sflag:s0], s1  }
0x65: {  	s1 =	ssub.s32 @!p0 $0x0, s1;
	[sflag:s0] =	ssyncset.done @!p0 $0x0  }
0x66: {  	[sflag:s0] =	ssyncadd.s32 @!p0 s1  }
0x67: {  	[bflag:$0x3] =	sbarrier.arrive $0xFFFF  }
0x68: {  	_ =	shalt  }

</sc_bundles>
